<compile_context>
chip_gen: v7x
topology: tpu7x:2x2x1
jax: 0.10.2.dev20260603
libtpu: 0.0.44.dev20260713+nightly
codegen_flags: <defaults>
</compile_context>

<pallas_src>
import functools

import jax
import jax.numpy as jnp
from jax import lax
from jax.experimental import pallas as pl
from jax.experimental.pallas import tpu as pltpu
from jax.experimental.pallas import tpu_sc as plsc

CHUNK = 128
NBUF = 8


@functools.lru_cache(maxsize=None)
def _make_gather(n: int, d: int):
    info = plsc.get_sparse_core_info()
    nw = info.num_cores * info.num_subcores
    assert n % (nw * CHUNK) == 0
    b_per_w = n // nw
    n_chunks = b_per_w // CHUNK
    mesh = plsc.VectorSubcoreMesh(core_axis_name="c", subcore_axis_name="s")

    @functools.partial(
        pl.kernel,
        mesh=mesh,
        out_type=jax.ShapeDtypeStruct((n, d), jnp.float32),
        compiler_params=pltpu.CompilerParams(use_tc_tiling_on_sc=False),
        scratch_types=[
            pltpu.VMEM((n_chunks, CHUNK), jnp.int32),
            pltpu.VMEM((NBUF, CHUNK, d), jnp.float32),
            pltpu.SemaphoreType.DMA((NBUF,)),
            pltpu.SemaphoreType.DMA((NBUF,)),
        ],
    )
    def gather_kernel(idx_hbm, table_hbm, out_hbm, idx_v, rows_v, gsem, osem):
        wid = lax.axis_index("s") * info.num_cores + lax.axis_index("c")
        base = wid * b_per_w
        pltpu.sync_copy(idx_hbm.at[wid], idx_v)

        def fire_gather(j, b):
            pltpu.async_copy(table_hbm.at[idx_v.at[j]], rows_v.at[b], gsem.at[b])

        def wait_gather(j, b):
            pltpu.make_async_copy(
                table_hbm.at[idx_v.at[j]], rows_v.at[b], gsem.at[b]
            ).wait()

        def out_ref(j, b):
            return (rows_v.at[b], out_hbm.at[pl.ds(base + j * CHUNK, CHUNK)])

        def fire_out(j, b):
            src, dst = out_ref(j, b)
            pltpu.async_copy(src, dst, osem.at[b])

        def wait_out(j, b):
            src, dst = out_ref(j, b)
            pltpu.make_async_copy(src, dst, osem.at[b]).wait()

        n_groups = n_chunks // NBUF
        for b in range(NBUF):
            fire_gather(b, b)

        def group(g, _):
            j0 = g * NBUF
            for b in range(NBUF):
                wait_gather(j0 + b, b)
                fire_out(j0 + b, b)
            jn0 = j0 + NBUF
            for b in range(NBUF):
                wait_out(j0 + b, b)
                fire_gather(jn0 + b, b)
            return ()

        lax.fori_loop(0, n_groups - 1, group, ())

        j0 = (n_groups - 1) * NBUF
        for b in range(NBUF):
            wait_gather(j0 + b, b)
            fire_out(j0 + b, b)
        for b in range(NBUF):
            wait_out(j0 + b, b)

    return gather_kernel


def kernel(token_ids, table):
    b, s = token_ids.shape
    n = b * s
    info = plsc.get_sparse_core_info()
    nw = info.num_cores * info.num_subcores
    idx = token_ids.reshape(nw, -1, CHUNK).astype(jnp.int32)
    out = _make_gather(n, table.shape[1])(idx, table)
    return out.reshape(b, s, table.shape[1])

# --- scband reference (transcript-rebuilt; emitter-appended) ---
"""Pipeline reference for scband-word2vec-embedder-39548058862084 (READ-ONLY COPY).

The authoritative reference and input builder live on the scoring server;
editing this copy changes nothing except your own understanding.
"""

import jax, jax.numpy as jnp
import numpy as np

VOCAB = 1000000
WORD_DIM = 64
BATCH = 4096
SEQ = 200

def setup_inputs(seed: int = 0) -> dict:
    key = jax.random.key(seed)
    k_idx, k_tab = jax.random.split(key)
    token_ids = jax.random.randint(k_idx, (BATCH, SEQ), 0, VOCAB, dtype=jnp.int64 if jax.config.jax_enable_x64 else jnp.int32)
    table = jax.random.normal(k_tab, (VOCAB, WORD_DIM), dtype=jnp.float32)
    return {"token_ids": token_ids, "table": table}

def reference(token_ids, table):
    # Faithful to Word2vec_Embedder.forward: tokens are already mapped to ids
    # and padded to max_len (string->id mapping and padding are host-side
    # preprocessing); the device computation is a single embedding lookup
    # into the word2vec look-up table: embeddings = embedder(token_ids).
    embeddings = jnp.take(table, token_ids, axis=0)  # [B, L, word_dim]
    return embeddings

if __name__ == "__main__":
    import jax
    _d = setup_inputs()
    print(jax.jit(kernel)(*tuple(_d.values())))

</pallas_src>

<mosaic_0001>
#map = affine_map<(d0, d1) -> (0, 0, 0)>
#map1 = affine_map<(d0, d1) -> (0, 0)>
module attributes {stable_mosaic.version = 14 : i64} {
  func.func @gather_kernel(%arg0: i32, %arg1: i32, %arg2: memref<32x200x128xi32, #tpu.memory_space<hbm>>, %arg3: memref<1000000x64xf32, #tpu.memory_space<hbm>>, %arg4: memref<819200x64xf32, #tpu.memory_space<hbm>>, %arg5: memref<200x128xi32, #tpu.memory_space<vmem>>, %arg6: memref<8x128x64xf32, #tpu.memory_space<vmem>>, %arg7: memref<8x!tpu.dma_semaphore, #tpu.memory_space<semaphore_mem>>, %arg8: memref<8x!tpu.dma_semaphore, #tpu.memory_space<semaphore_mem>>) attributes {dimension_semantics = [#tpu.dimension_semantics<core_parallel>, #tpu.dimension_semantics<subcore_parallel>], iteration_bounds = array<i64: 2, 16>, scalar_prefetch = 0 : i64, scratch_operands = 4 : i64, tpu.core_type = #tpu.core_type<sc_vector_subcore>, window_params = [{transform_indices = #map}, {transform_indices = #map1}, {transform_indices = #map1}]} {
    %mul3A = arith.constant 2 : i32
    %mul3A_0 = arith.muli %arg1, %mul3A : i32
    %add3A = arith.addi %mul3A_0, %arg0 : i32
    %mul3A_1 = arith.constant 25600 : i32
    %mul3A_2 = arith.muli %add3A, %mul3A_1 : i32
    "tpu.region"() ({
      %run_scoped3A = tpu.sem_alloc : memref<!tpu.dma_semaphore, #tpu.memory_space<semaphore_mem>>
      %dma_start3A_533 = arith.constant 0 : i32
      %dma_start3A_534 = arith.constant 0 : i32
      %dma_start3A_535 = tpu.memref_slice %arg2[%add3A, %dma_start3A_533, %dma_start3A_534] : memref<32x200x128xi32, #tpu.memory_space<hbm>> -> memref<1x200x128xi32, #tpu.memory_space<hbm>>
      %dma_start3A_536 = tpu.memref_squeeze %dma_start3A_535 : memref<1x200x128xi32, #tpu.memory_space<hbm>> -> memref<200x128xi32, #tpu.memory_space<hbm>>
      %dma_start3A_537 = arith.constant 0 : i32
      %dma_start3A_538 = arith.constant 0 : i32
      %dma_start3A_539 = tpu.memref_slice %arg2[%add3A, %dma_start3A_537, %dma_start3A_538] : memref<32x200x128xi32, #tpu.memory_space<hbm>> -> memref<1x200x128xi32, #tpu.memory_space<hbm>>
      %dma_start3A_540 = tpu.memref_squeeze %dma_start3A_539 : memref<1x200x128xi32, #tpu.memory_space<hbm>> -> memref<200x128xi32, #tpu.memory_space<hbm>>
      tpu.enqueue_dma source(%dma_start3A_540 : memref<200x128xi32, #tpu.memory_space<hbm>>) target(%arg5 : memref<200x128xi32, #tpu.memory_space<vmem>>) target_semaphore(%run_scoped3A : memref<!tpu.dma_semaphore, #tpu.memory_space<semaphore_mem>>)
      %dma_wait3A_541 = arith.constant 0 : i32
      %dma_wait3A_542 = arith.constant 0 : i32
      %dma_wait3A_543 = tpu.memref_slice %arg2[%add3A, %dma_wait3A_541, %dma_wait3A_542] : memref<32x200x128xi32, #tpu.memory_space<hbm>> -> memref<1x200x128xi32, #tpu.memory_space<hbm>>
      %dma_wait3A_544 = tpu.memref_squeeze %dma_wait3A_543 : memref<1x200x128xi32, #tpu.memory_space<hbm>> -> memref<200x128xi32, #tpu.memory_space<hbm>>
      %dma_wait3A_545 = arith.constant 0 : i32
      %dma_wait3A_546 = arith.constant 0 : i32
      %dma_wait3A_547 = tpu.memref_slice %arg2[%add3A, %dma_wait3A_545, %dma_wait3A_546] : memref<32x200x128xi32, #tpu.memory_space<hbm>> -> memref<1x200x128xi32, #tpu.memory_space<hbm>>
      %dma_wait3A_548 = tpu.memref_squeeze %dma_wait3A_547 : memref<1x200x128xi32, #tpu.memory_space<hbm>> -> memref<200x128xi32, #tpu.memory_space<hbm>>
      tpu.wait_dma2 semaphore(%run_scoped3A : memref<!tpu.dma_semaphore, #tpu.memory_space<semaphore_mem>>) src(%dma_wait3A_548 : memref<200x128xi32, #tpu.memory_space<hbm>>) dst(%arg5 : memref<200x128xi32, #tpu.memory_space<vmem>>)
      tpu.yield
    }) : () -> ()
    %dma_start3A = arith.constant 0 : i32
    %dma_start3A_3 = arith.constant 0 : i32
    %dma_start3A_4 = arith.constant 0 : i32
    %dma_start3A_5 = arith.constant 0 : i32
    %dma_start3A_6 = arith.constant 0 : i32
    %dma_start3A_7 = tpu.memref_slice %arg6[%dma_start3A_3, %dma_start3A_5, %dma_start3A_6] : memref<8x128x64xf32, #tpu.memory_space<vmem>> -> memref<1x128x64xf32, #tpu.memory_space<vmem>>
    %dma_start3A_8 = tpu.memref_squeeze %dma_start3A_7 : memref<1x128x64xf32, #tpu.memory_space<vmem>> -> memref<128x64xf32, #tpu.memory_space<vmem>>
    %dma_start3A_9 = arith.constant 0 : i32
    %dma_start3A_10 = tpu.memref_slice %arg5[%dma_start3A, %dma_start3A_9] : memref<200x128xi32, #tpu.memory_space<vmem>> -> memref<1x128xi32, #tpu.memory_space<vmem>>
    %dma_start3A_11 = tpu.memref_squeeze %dma_start3A_10 : memref<1x128xi32, #tpu.memory_space<vmem>> -> memref<128xi32, #tpu.memory_space<vmem>>
    %dma_start3A_12 = arith.constant 0 : i32
    %dma_start3A_13 = arith.constant 0 : i32
    %dma_start3A_14 = tpu.memref_slice %arg3[%dma_start3A_12, %dma_start3A_13] : memref<1000000x64xf32, #tpu.memory_space<hbm>> -> memref<1000000x64xf32, #tpu.memory_space<hbm>>
    %dma_start3A_15 = tpu.memref_slice %arg7[%dma_start3A_4] : memref<8x!tpu.dma_semaphore, #tpu.memory_space<semaphore_mem>> -> memref<1x!tpu.dma_semaphore, #tpu.memory_space<semaphore_mem>>
    %dma_start3A_16 = tpu.memref_squeeze %dma_start3A_15 : memref<1x!tpu.dma_semaphore, #tpu.memory_space<semaphore_mem>> -> memref<!tpu.dma_semaphore, #tpu.memory_space<semaphore_mem>>
    tpu.enqueue_indirect_dma source(%dma_start3A_14 : memref<1000000x64xf32, #tpu.memory_space<hbm>>) target(%dma_start3A_8 : memref<128x64xf32, #tpu.memory_space<vmem>>) offsets(%dma_start3A_11 : memref<128xi32, #tpu.memory_space<vmem>>) semaphore(%dma_start3A_16 : memref<!tpu.dma_semaphore, #tpu.memory_space<semaphore_mem>>)
    %dma_start3A_17 = arith.constant 1 : i32
    %dma_start3A_18 = arith.constant 1 : i32
    %dma_start3A_19 = arith.constant 1 : i32
    %dma_start3A_20 = arith.constant 0 : i32
    %dma_start3A_21 = arith.constant 0 : i32
    %dma_start3A_22 = tpu.memref_slice %arg6[%dma_start3A_18, %dma_start3A_20, %dma_start3A_21] : memref<8x128x64xf32, #tpu.memory_space<vmem>> -> memref<1x128x64xf32, #tpu.memory_space<vmem>>
    %dma_start3A_23 = tpu.memref_squeeze %dma_start3A_22 : memref<1x128x64xf32, #tpu.memory_space<vmem>> -> memref<128x64xf32, #tpu.memory_space<vmem>>
    %dma_start3A_24 = arith.constant 0 : i32
    %dma_start3A_25 = tpu.memref_slice %arg5[%dma_start3A_17, %dma_start3A_24] : memref<200x128xi32, #tpu.memory_space<vmem>> -> memref<1x128xi32, #tpu.memory_space<vmem>>
    %dma_start3A_26 = tpu.memref_squeeze %dma_start3A_25 : memref<1x128xi32, #tpu.memory_space<vmem>> -> memref<128xi32, #tpu.memory_space<vmem>>
    %dma_start3A_27 = arith.constant 0 : i32
    %dma_start3A_28 = arith.constant 0 : i32
    %dma_start3A_29 = tpu.memref_slice %arg3[%dma_start3A_27, %dma_start3A_28] : memref<1000000x64xf32, #tpu.memory_space<hbm>> -> memref<1000000x64xf32, #tpu.memory_space<hbm>>
    %dma_start3A_30 = tpu.memref_slice %arg7[%dma_start3A_19] : memref<8x!tpu.dma_semaphore, #tpu.memory_space<semaphore_mem>> -> memref<1x!tpu.dma_semaphore, #tpu.memory_space<semaphore_mem>>
    %dma_start3A_31 = tpu.memref_squeeze %dma_start3A_30 : memref<1x!tpu.dma_semaphore, #tpu.memory_space<semaphore_mem>> -> memref<!tpu.dma_semaphore, #tpu.memory_space<semaphore_mem>>
    tpu.enqueue_indirect_dma source(%dma_start3A_29 : memref<1000000x64xf32, #tpu.memory_space<hbm>>) target(%dma_start3A_23 : memref<128x64xf32, #tpu.memory_space<vmem>>) offsets(%dma_start3A_26 : memref<128xi32, #tpu.memory_space<vmem>>) semaphore(%dma_start3A_31 : memref<!tpu.dma_semaphore, #tpu.memory_space<semaphore_mem>>)
    %dma_start3A_32 = arith.constant 2 : i32
    %dma_start3A_33 = arith.constant 2 : i32
    %dma_start3A_34 = arith.constant 2 : i32
    %dma_start3A_35 = arith.constant 0 : i32
    %dma_start3A_36 = arith.constant 0 : i32
    %dma_start3A_37 = tpu.memref_slice %arg6[%dma_start3A_33, %dma_start3A_35, %dma_start3A_36] : memref<8x128x64xf32, #tpu.memory_space<vmem>> -> memref<1x128x64xf32, #tpu.memory_space<vmem>>
    %dma_start3A_38 = tpu.memref_squeeze %dma_start3A_37 : memref<1x128x64xf32, #tpu.memory_space<vmem>> -> memref<128x64xf32, #tpu.memory_space<vmem>>
    %dma_start3A_39 = arith.constant 0 : i32
    %dma_start3A_40 = tpu.memref_slice %arg5[%dma_start3A_32, %dma_start3A_39] : memref<200x128xi32, #tpu.memory_space<vmem>> -> memref<1x128xi32, #tpu.memory_space<vmem>>
    %dma_start3A_41 = tpu.memref_squeeze %dma_start3A_40 : memref<1x128xi32, #tpu.memory_space<vmem>> -> memref<128xi32, #tpu.memory_space<vmem>>
    %dma_start3A_42 = arith.constant 0 : i32
    %dma_start3A_43 = arith.constant 0 : i32
    %dma_start3A_44 = tpu.memref_slice %arg3[%dma_start3A_42, %dma_start3A_43] : memref<1000000x64xf32, #tpu.memory_space<hbm>> -> memref<1000000x64xf32, #tpu.memory_space<hbm>>
    %dma_start3A_45 = tpu.memref_slice %arg7[%dma_start3A_34] : memref<8x!tpu.dma_semaphore, #tpu.memory_space<semaphore_mem>> -> memref<1x!tpu.dma_semaphore, #tpu.memory_space<semaphore_mem>>
    %dma_start3A_46 = tpu.memref_squeeze %dma_start3A_45 : memref<1x!tpu.dma_semaphore, #tpu.memory_space<semaphore_mem>> -> memref<!tpu.dma_semaphore, #tpu.memory_space<semaphore_mem>>
    tpu.enqueue_indirect_dma source(%dma_start3A_44 : memref<1000000x64xf32, #tpu.memory_space<hbm>>) target(%dma_start3A_38 : memref<128x64xf32, #tpu.memory_space<vmem>>) offsets(%dma_start3A_41 : memref<128xi32, #tpu.memory_space<vmem>>) semaphore(%dma_start3A_46 : memref<!tpu.dma_semaphore, #tpu.memory_space<semaphore_mem>>)
    %dma_start3A_47 = arith.constant 3 : i32
    %dma_start3A_48 = arith.constant 3 : i32
    %dma_start3A_49 = arith.constant 3 : i32
    %dma_start3A_50 = arith.constant 0 : i32
    %dma_start3A_51 = arith.constant 0 : i32
    %dma_start3A_52 = tpu.memref_slice %arg6[%dma_start3A_48, %dma_start3A_50, %dma_start3A_51] : memref<8x128x64xf32, #tpu.memory_space<vmem>> -> memref<1x128x64xf32, #tpu.memory_space<vmem>>
    %dma_start3A_53 = tpu.memref_squeeze %dma_start3A_52 : memref<1x128x64xf32, #tpu.memory_space<vmem>> -> memref<128x64xf32, #tpu.memory_space<vmem>>
    %dma_start3A_54 = arith.constant 0 : i32
    %dma_start3A_55 = tpu.memref_slice %arg5[%dma_start3A_47, %dma_start3A_54] : memref<200x128xi32, #tpu.memory_space<vmem>> -> memref<1x128xi32, #tpu.memory_space<vmem>>
    %dma_start3A_56 = tpu.memref_squeeze %dma_start3A_55 : memref<1x128xi32, #tpu.memory_space<vmem>> -> memref<128xi32, #tpu.memory_space<vmem>>
    %dma_start3A_57 = arith.constant 0 : i32
    %dma_start3A_58 = arith.constant 0 : i32
    %dma_start3A_59 = tpu.memref_slice %arg3[%dma_start3A_57, %dma_start3A_58] : memref<1000000x64xf32, #tpu.memory_space<hbm>> -> memref<1000000x64xf32, #tpu.memory_space<hbm>>
    %dma_start3A_60 = tpu.memref_slice %arg7[%dma_start3A_49] : memref<8x!tpu.dma_semaphore, #tpu.memory_space<semaphore_mem>> -> memref<1x!tpu.dma_semaphore, #tpu.memory_space<semaphore_mem>>
    %dma_start3A_61 = tpu.memref_squeeze %dma_start3A_60 : memref<1x!tpu.dma_semaphore, #tpu.memory_space<semaphore_mem>> -> memref<!tpu.dma_semaphore, #tpu.memory_space<semaphore_mem>>
    tpu.enqueue_indirect_dma source(%dma_start3A_59 : memref<1000000x64xf32, #tpu.memory_space<hbm>>) target(%dma_start3A_53 : memref<128x64xf32, #tpu.memory_space<vmem>>) offsets(%dma_start3A_56 : memref<128xi32, #tpu.memory_space<vmem>>) semaphore(%dma_start3A_61 : memref<!tpu.dma_semaphore, #tpu.memory_space<semaphore_mem>>)
    %dma_start3A_62 = arith.constant 4 : i32
    %dma_start3A_63 = arith.constant 4 : i32
    %dma_start3A_64 = arith.constant 4 : i32
    %dma_start3A_65 = arith.constant 0 : i32
    %dma_start3A_66 = arith.constant 0 : i32
    %dma_start3A_67 = tpu.memref_slice %arg6[%dma_start3A_63, %dma_start3A_65, %dma_start3A_66] : memref<8x128x64xf32, #tpu.memory_space<vmem>> -> memref<1x128x64xf32, #tpu.memory_space<vmem>>
    %dma_start3A_68 = tpu.memref_squeeze %dma_start3A_67 : memref<1x128x64xf32, #tpu.memory_space<vmem>> -> memref<128x64xf32, #tpu.memory_space<vmem>>
    %dma_start3A_69 = arith.constant 0 : i32
    %dma_start3A_70 = tpu.memref_slice %arg5[%dma_start3A_62, %dma_start3A_69] : memref<200x128xi32, #tpu.memory_space<vmem>> -> memref<1x128xi32, #tpu.memory_space<vmem>>
    %dma_start3A_71 = tpu.memref_squeeze %dma_start3A_70 : memref<1x128xi32, #tpu.memory_space<vmem>> -> memref<128xi32, #tpu.memory_space<vmem>>
    %dma_start3A_72 = arith.constant 0 : i32
    %dma_start3A_73 = arith.constant 0 : i32
    %dma_start3A_74 = tpu.memref_slice %arg3[%dma_start3A_72, %dma_start3A_73] : memref<1000000x64xf32, #tpu.memory_space<hbm>> -> memref<1000000x64xf32, #tpu.memory_space<hbm>>
    %dma_start3A_75 = tpu.memref_slice %arg7[%dma_start3A_64] : memref<8x!tpu.dma_semaphore, #tpu.memory_space<semaphore_mem>> -> memref<1x!tpu.dma_semaphore, #tpu.memory_space<semaphore_mem>>
    %dma_start3A_76 = tpu.memref_squeeze %dma_start3A_75 : memref<1x!tpu.dma_semaphore, #tpu.memory_space<semaphore_mem>> -> memref<!tpu.dma_semaphore, #tpu.memory_space<semaphore_mem>>
    tpu.enqueue_indirect_dma source(%dma_start3A_74 : memref<1000000x64xf32, #tpu.memory_space<hbm>>) target(%dma_start3A_68 : memref<128x64xf32, #tpu.memory_space<vmem>>) offsets(%dma_start3A_71 : memref<128xi32, #tpu.memory_space<vmem>>) semaphore(%dma_start3A_76 : memref<!tpu.dma_semaphore, #tpu.memory_space<semaphore_mem>>)
    %dma_start3A_77 = arith.constant 5 : i32
    %dma_start3A_78 = arith.constant 5 : i32
    %dma_start3A_79 = arith.constant 5 : i32
    %dma_start3A_80 = arith.constant 0 : i32
    %dma_start3A_81 = arith.constant 0 : i32
    %dma_start3A_82 = tpu.memref_slice %arg6[%dma_start3A_78, %dma_start3A_80, %dma_start3A_81] : memref<8x128x64xf32, #tpu.memory_space<vmem>> -> memref<1x128x64xf32, #tpu.memory_space<vmem>>
    %dma_start3A_83 = tpu.memref_squeeze %dma_start3A_82 : memref<1x128x64xf32, #tpu.memory_space<vmem>> -> memref<128x64xf32, #tpu.memory_space<vmem>>
    %dma_start3A_84 = arith.constant 0 : i32
    %dma_start3A_85 = tpu.memref_slice %arg5[%dma_start3A_77, %dma_start3A_84] : memref<200x128xi32, #tpu.memory_space<vmem>> -> memref<1x128xi32, #tpu.memory_space<vmem>>
    %dma_start3A_86 = tpu.memref_squeeze %dma_start3A_85 : memref<1x128xi32, #tpu.memory_space<vmem>> -> memref<128xi32, #tpu.memory_space<vmem>>
    %dma_start3A_87 = arith.constant 0 : i32
    %dma_start3A_88 = arith.constant 0 : i32
    %dma_start3A_89 = tpu.memref_slice %arg3[%dma_start3A_87, %dma_start3A_88] : memref<1000000x64xf32, #tpu.memory_space<hbm>> -> memref<1000000x64xf32, #tpu.memory_space<hbm>>
    %dma_start3A_90 = tpu.memref_slice %arg7[%dma_start3A_79] : memref<8x!tpu.dma_semaphore, #tpu.memory_space<semaphore_mem>> -> memref<1x!tpu.dma_semaphore, #tpu.memory_space<semaphore_mem>>
    %dma_start3A_91 = tpu.memref_squeeze %dma_start3A_90 : memref<1x!tpu.dma_semaphore, #tpu.memory_space<semaphore_mem>> -> memref<!tpu.dma_semaphore, #tpu.memory_space<semaphore_mem>>
    tpu.enqueue_indirect_dma source(%dma_start3A_89 : memref<1000000x64xf32, #tpu.memory_space<hbm>>) target(%dma_start3A_83 : memref<128x64xf32, #tpu.memory_space<vmem>>) offsets(%dma_start3A_86 : memref<128xi32, #tpu.memory_space<vmem>>) semaphore(%dma_start3A_91 : memref<!tpu.dma_semaphore, #tpu.memory_space<semaphore_mem>>)
    %dma_start3A_92 = arith.constant 6 : i32
    %dma_start3A_93 = arith.constant 6 : i32
    %dma_start3A_94 = arith.constant 6 : i32
    %dma_start3A_95 = arith.constant 0 : i32
    %dma_start3A_96 = arith.constant 0 : i32
    %dma_start3A_97 = tpu.memref_slice %arg6[%dma_start3A_93, %dma_start3A_95, %dma_start3A_96] : memref<8x128x64xf32, #tpu.memory_space<vmem>> -> memref<1x128x64xf32, #tpu.memory_space<vmem>>
    %dma_start3A_98 = tpu.memref_squeeze %dma_start3A_97 : memref<1x128x64xf32, #tpu.memory_space<vmem>> -> memref<128x64xf32, #tpu.memory_space<vmem>>
    %dma_start3A_99 = arith.constant 0 : i32
    %dma_start3A_100 = tpu.memref_slice %arg5[%dma_start3A_92, %dma_start3A_99] : memref<200x128xi32, #tpu.memory_space<vmem>> -> memref<1x128xi32, #tpu.memory_space<vmem>>
    %dma_start3A_101 = tpu.memref_squeeze %dma_start3A_100 : memref<1x128xi32, #tpu.memory_space<vmem>> -> memref<128xi32, #tpu.memory_space<vmem>>
    %dma_start3A_102 = arith.constant 0 : i32
    %dma_start3A_103 = arith.constant 0 : i32
    %dma_start3A_104 = tpu.memref_slice %arg3[%dma_start3A_102, %dma_start3A_103] : memref<1000000x64xf32, #tpu.memory_space<hbm>> -> memref<1000000x64xf32, #tpu.memory_space<hbm>>
    %dma_start3A_105 = tpu.memref_slice %arg7[%dma_start3A_94] : memref<8x!tpu.dma_semaphore, #tpu.memory_space<semaphore_mem>> -> memref<1x!tpu.dma_semaphore, #tpu.memory_space<semaphore_mem>>
    %dma_start3A_106 = tpu.memref_squeeze %dma_start3A_105 : memref<1x!tpu.dma_semaphore, #tpu.memory_space<semaphore_mem>> -> memref<!tpu.dma_semaphore, #tpu.memory_space<semaphore_mem>>
    tpu.enqueue_indirect_dma source(%dma_start3A_104 : memref<1000000x64xf32, #tpu.memory_space<hbm>>) target(%dma_start3A_98 : memref<128x64xf32, #tpu.memory_space<vmem>>) offsets(%dma_start3A_101 : memref<128xi32, #tpu.memory_space<vmem>>) semaphore(%dma_start3A_106 : memref<!tpu.dma_semaphore, #tpu.memory_space<semaphore_mem>>)
    %dma_start3A_107 = arith.constant 7 : i32
    %dma_start3A_108 = arith.constant 7 : i32
    %dma_start3A_109 = arith.constant 7 : i32
    %dma_start3A_110 = arith.constant 0 : i32
    %dma_start3A_111 = arith.constant 0 : i32
    %dma_start3A_112 = tpu.memref_slice %arg6[%dma_start3A_108, %dma_start3A_110, %dma_start3A_111] : memref<8x128x64xf32, #tpu.memory_space<vmem>> -> memref<1x128x64xf32, #tpu.memory_space<vmem>>
    %dma_start3A_113 = tpu.memref_squeeze %dma_start3A_112 : memref<1x128x64xf32, #tpu.memory_space<vmem>> -> memref<128x64xf32, #tpu.memory_space<vmem>>
    %dma_start3A_114 = arith.constant 0 : i32
    %dma_start3A_115 = tpu.memref_slice %arg5[%dma_start3A_107, %dma_start3A_114] : memref<200x128xi32, #tpu.memory_space<vmem>> -> memref<1x128xi32, #tpu.memory_space<vmem>>
    %dma_start3A_116 = tpu.memref_squeeze %dma_start3A_115 : memref<1x128xi32, #tpu.memory_space<vmem>> -> memref<128xi32, #tpu.memory_space<vmem>>
    %dma_start3A_117 = arith.constant 0 : i32
    %dma_start3A_118 = arith.constant 0 : i32
    %dma_start3A_119 = tpu.memref_slice %arg3[%dma_start3A_117, %dma_start3A_118] : memref<1000000x64xf32, #tpu.memory_space<hbm>> -> memref<1000000x64xf32, #tpu.memory_space<hbm>>
    %dma_start3A_120 = tpu.memref_slice %arg7[%dma_start3A_109] : memref<8x!tpu.dma_semaphore, #tpu.memory_space<semaphore_mem>> -> memref<1x!tpu.dma_semaphore, #tpu.memory_space<semaphore_mem>>
    %dma_start3A_121 = tpu.memref_squeeze %dma_start3A_120 : memref<1x!tpu.dma_semaphore, #tpu.memory_space<semaphore_mem>> -> memref<!tpu.dma_semaphore, #tpu.memory_space<semaphore_mem>>
    tpu.enqueue_indirect_dma source(%dma_start3A_119 : memref<1000000x64xf32, #tpu.memory_space<hbm>>) target(%dma_start3A_113 : memref<128x64xf32, #tpu.memory_space<vmem>>) offsets(%dma_start3A_116 : memref<128xi32, #tpu.memory_space<vmem>>) semaphore(%dma_start3A_121 : memref<!tpu.dma_semaphore, #tpu.memory_space<semaphore_mem>>)
    %scan3A = arith.constant 0 : i32
    %scan3A_122 = arith.constant 24 : i32
    %scan3A_123 = arith.addi %scan3A, %scan3A_122 : i32
    %scan3A_124 = arith.constant 1 : i32
    scf.for %scan3A_533 = %scan3A to %scan3A_123 step %scan3A_124  : i32 {
      %mul3A_534 = arith.constant 8 : i32
      %mul3A_535 = arith.muli %scan3A_533, %mul3A_534 : i32
      %add3A_536 = arith.constant 0 : i32
      %add3A_537 = arith.addi %mul3A_535, %add3A_536 : i32
      %dma_wait3A_538 = arith.constant 0 : i32
      %dma_wait3A_539 = arith.constant 0 : i32
      %dma_wait3A_540 = arith.constant 0 : i32
      %dma_wait3A_541 = arith.constant 0 : i32
      %dma_wait3A_542 = tpu.memref_slice %arg6[%dma_wait3A_538, %dma_wait3A_540, %dma_wait3A_541] : memref<8x128x64xf32, #tpu.memory_space<vmem>> -> memref<1x128x64xf32, #tpu.memory_space<vmem>>
      %dma_wait3A_543 = tpu.memref_squeeze %dma_wait3A_542 : memref<1x128x64xf32, #tpu.memory_space<vmem>> -> memref<128x64xf32, #tpu.memory_space<vmem>>
      %dma_wait3A_544 = arith.constant 0 : i32
      %dma_wait3A_545 = tpu.memref_slice %arg5[%add3A_537, %dma_wait3A_544] : memref<200x128xi32, #tpu.memory_space<vmem>> -> memref<1x128xi32, #tpu.memory_space<vmem>>
      %dma_wait3A_546 = tpu.memref_squeeze %dma_wait3A_545 : memref<1x128xi32, #tpu.memory_space<vmem>> -> memref<128xi32, #tpu.memory_space<vmem>>
      %dma_wait3A_547 = arith.constant 0 : i32
      %dma_wait3A_548 = arith.constant 0 : i32
      %dma_wait3A_549 = tpu.memref_slice %arg3[%dma_wait3A_547, %dma_wait3A_548] : memref<1000000x64xf32, #tpu.memory_space<hbm>> -> memref<1000000x64xf32, #tpu.memory_space<hbm>>
      %dma_wait3A_550 = tpu.memref_slice %arg7[%dma_wait3A_539] : memref<8x!tpu.dma_semaphore, #tpu.memory_space<semaphore_mem>> -> memref<1x!tpu.dma_semaphore, #tpu.memory_space<semaphore_mem>>
      %dma_wait3A_551 = tpu.memref_squeeze %dma_wait3A_550 : memref<1x!tpu.dma_semaphore, #tpu.memory_space<semaphore_mem>> -> memref<!tpu.dma_semaphore, #tpu.memory_space<semaphore_mem>>
      tpu.wait_indirect_dma semaphore(%dma_wait3A_551 : memref<!tpu.dma_semaphore, #tpu.memory_space<semaphore_mem>>) src(%dma_wait3A_549 : memref<1000000x64xf32, #tpu.memory_space<hbm>>) dst(%dma_wait3A_543 : memref<128x64xf32, #tpu.memory_space<vmem>>)
      %add3A_552 = arith.constant 0 : i32
      %add3A_553 = arith.addi %mul3A_535, %add3A_552 : i32
      %mul3A_554 = arith.constant 128 : i32
      %mul3A_555 = arith.muli %add3A_553, %mul3A_554 : i32
      %add3A_556 = arith.addi %mul3A_2, %mul3A_555 : i32
      %dma_start3A_557 = arith.constant 0 : i32
      %dma_start3A_558 = arith.constant 0 : i32
      %dma_start3A_559 = arith.constant 0 : i32
      %dma_start3A_560 = arith.constant 0 : i32
      %dma_start3A_561 = tpu.memref_slice %arg6[%dma_start3A_557, %dma_start3A_559, %dma_start3A_560] : memref<8x128x64xf32, #tpu.memory_space<vmem>> -> memref<1x128x64xf32, #tpu.memory_space<vmem>>
      %dma_start3A_562 = tpu.memref_squeeze %dma_start3A_561 : memref<1x128x64xf32, #tpu.memory_space<vmem>> -> memref<128x64xf32, #tpu.memory_space<vmem>>
      %dma_start3A_563 = arith.constant 0 : i32
      %dma_start3A_564 = tpu.memref_slice %arg4[%add3A_556, %dma_start3A_563] : memref<819200x64xf32, #tpu.memory_space<hbm>> -> memref<128x64xf32, #tpu.memory_space<hbm>>
      %dma_start3A_565 = tpu.memref_slice %arg8[%dma_start3A_558] : memref<8x!tpu.dma_semaphore, #tpu.memory_space<semaphore_mem>> -> memref<1x!tpu.dma_semaphore, #tpu.memory_space<semaphore_mem>>
      %dma_start3A_566 = tpu.memref_squeeze %dma_start3A_565 : memref<1x!tpu.dma_semaphore, #tpu.memory_space<semaphore_mem>> -> memref<!tpu.dma_semaphore, #tpu.memory_space<semaphore_mem>>
      %dma_start3A_567 = arith.constant 0 : i32
      %dma_start3A_568 = tpu.memref_slice %arg4[%add3A_556, %dma_start3A_567] : memref<819200x64xf32, #tpu.memory_space<hbm>> -> memref<128x64xf32, #tpu.memory_space<hbm>>
      %dma_start3A_569 = arith.constant 0 : i32
      %dma_start3A_570 = arith.constant 0 : i32
      %dma_start3A_571 = tpu.memref_slice %arg6[%dma_start3A_557, %dma_start3A_569, %dma_start3A_570] : memref<8x128x64xf32, #tpu.memory_space<vmem>> -> memref<1x128x64xf32, #tpu.memory_space<vmem>>
      %dma_start3A_572 = tpu.memref_squeeze %dma_start3A_571 : memref<1x128x64xf32, #tpu.memory_space<vmem>> -> memref<128x64xf32, #tpu.memory_space<vmem>>
      tpu.enqueue_dma source(%dma_start3A_572 : memref<128x64xf32, #tpu.memory_space<vmem>>) target(%dma_start3A_568 : memref<128x64xf32, #tpu.memory_space<hbm>>) target_semaphore(%dma_start3A_566 : memref<!tpu.dma_semaphore, #tpu.memory_space<semaphore_mem>>)
      %add3A_573 = arith.constant 1 : i32
      %add3A_574 = arith.addi %mul3A_535, %add3A_573 : i32
      %dma_wait3A_575 = arith.constant 1 : i32
      %dma_wait3A_576 = arith.constant 1 : i32
      %dma_wait3A_577 = arith.constant 0 : i32
      %dma_wait3A_578 = arith.constant 0 : i32
      %dma_wait3A_579 = tpu.memref_slice %arg6[%dma_wait3A_575, %dma_wait3A_577, %dma_wait3A_578] : memref<8x128x64xf32, #tpu.memory_space<vmem>> -> memref<1x128x64xf32, #tpu.memory_space<vmem>>
      %dma_wait3A_580 = tpu.memref_squeeze %dma_wait3A_579 : memref<1x128x64xf32, #tpu.memory_space<vmem>> -> memref<128x64xf32, #tpu.memory_space<vmem>>
      %dma_wait3A_581 = arith.constant 0 : i32
      %dma_wait3A_582 = tpu.memref_slice %arg5[%add3A_574, %dma_wait3A_581] : memref<200x128xi32, #tpu.memory_space<vmem>> -> memref<1x128xi32, #tpu.memory_space<vmem>>
      %dma_wait3A_583 = tpu.memref_squeeze %dma_wait3A_582 : memref<1x128xi32, #tpu.memory_space<vmem>> -> memref<128xi32, #tpu.memory_space<vmem>>
      %dma_wait3A_584 = arith.constant 0 : i32
      %dma_wait3A_585 = arith.constant 0 : i32
      %dma_wait3A_586 = tpu.memref_slice %arg3[%dma_wait3A_584, %dma_wait3A_585] : memref<1000000x64xf32, #tpu.memory_space<hbm>> -> memref<1000000x64xf32, #tpu.memory_space<hbm>>
      %dma_wait3A_587 = tpu.memref_slice %arg7[%dma_wait3A_576] : memref<8x!tpu.dma_semaphore, #tpu.memory_space<semaphore_mem>> -> memref<1x!tpu.dma_semaphore, #tpu.memory_space<semaphore_mem>>
      %dma_wait3A_588 = tpu.memref_squeeze %dma_wait3A_587 : memref<1x!tpu.dma_semaphore, #tpu.memory_space<semaphore_mem>> -> memref<!tpu.dma_semaphore, #tpu.memory_space<semaphore_mem>>
      tpu.wait_indirect_dma semaphore(%dma_wait3A_588 : memref<!tpu.dma_semaphore, #tpu.memory_space<semaphore_mem>>) src(%dma_wait3A_586 : memref<1000000x64xf32, #tpu.memory_space<hbm>>) dst(%dma_wait3A_580 : memref<128x64xf32, #tpu.memory_space<vmem>>)
      %add3A_589 = arith.constant 1 : i32
      %add3A_590 = arith.addi %mul3A_535, %add3A_589 : i32
      %mul3A_591 = arith.constant 128 : i32
      %mul3A_592 = arith.muli %add3A_590, %mul3A_591 : i32
      %add3A_593 = arith.addi %mul3A_2, %mul3A_592 : i32
      %dma_start3A_594 = arith.constant 1 : i32
      %dma_start3A_595 = arith.constant 1 : i32
      %dma_start3A_596 = arith.constant 0 : i32
      %dma_start3A_597 = arith.constant 0 : i32
      %dma_start3A_598 = tpu.memref_slice %arg6[%dma_start3A_594, %dma_start3A_596, %dma_start3A_597] : memref<8x128x64xf32, #tpu.memory_space<vmem>> -> memref<1x128x64xf32, #tpu.memory_space<vmem>>
      %dma_start3A_599 = tpu.memref_squeeze %dma_start3A_598 : memref<1x128x64xf32, #tpu.memory_space<vmem>> -> memref<128x64xf32, #tpu.memory_space<vmem>>
      %dma_start3A_600 = arith.constant 0 : i32
      %dma_start3A_601 = tpu.memref_slice %arg4[%add3A_593, %dma_start3A_600] : memref<819200x64xf32, #tpu.memory_space<hbm>> -> memref<128x64xf32, #tpu.memory_space<hbm>>
      %dma_start3A_602 = tpu.memref_slice %arg8[%dma_start3A_595] : memref<8x!tpu.dma_semaphore, #tpu.memory_space<semaphore_mem>> -> memref<1x!tpu.dma_semaphore, #tpu.memory_space<semaphore_mem>>
      %dma_start3A_603 = tpu.memref_squeeze %dma_start3A_602 : memref<1x!tpu.dma_semaphore, #tpu.memory_space<semaphore_mem>> -> memref<!tpu.dma_semaphore, #tpu.memory_space<semaphore_mem>>
      %dma_start3A_604 = arith.constant 0 : i32
      %dma_start3A_605 = tpu.memref_slice %arg4[%add3A_593, %dma_start3A_604] : memref<819200x64xf32, #tpu.memory_space<hbm>> -> memref<128x64xf32, #tpu.memory_space<hbm>>
      %dma_start3A_606 = arith.constant 0 : i32
      %dma_start3A_607 = arith.constant 0 : i32
      %dma_start3A_608 = tpu.memref_slice %arg6[%dma_start3A_594, %dma_start3A_606, %dma_start3A_607] : memref<8x128x64xf32, #tpu.memory_space<vmem>> -> memref<1x128x64xf32, #tpu.memory_space<vmem>>
      %dma_start3A_609 = tpu.memref_squeeze %dma_start3A_608 : memref<1x128x64xf32, #tpu.memory_space<vmem>> -> memref<128x64xf32, #tpu.memory_space<vmem>>
      tpu.enqueue_dma source(%dma_start3A_609 : memref<128x64xf32, #tpu.memory_space<vmem>>) target(%dma_start3A_605 : memref<128x64xf32, #tpu.memory_space<hbm>>) target_semaphore(%dma_start3A_603 : memref<!tpu.dma_semaphore, #tpu.memory_space<semaphore_mem>>)
      %add3A_610 = arith.constant 2 : i32
      %add3A_611 = arith.addi %mul3A_535, %add3A_610 : i32
      %dma_wait3A_612 = arith.constant 2 : i32
      %dma_wait3A_613 = arith.constant 2 : i32
      %dma_wait3A_614 = arith.constant 0 : i32
      %dma_wait3A_615 = arith.constant 0 : i32
      %dma_wait3A_616 = tpu.memref_slice %arg6[%dma_wait3A_612, %dma_wait3A_614, %dma_wait3A_615] : memref<8x128x64xf32, #tpu.memory_space<vmem>> -> memref<1x128x64xf32, #tpu.memory_space<vmem>>
      %dma_wait3A_617 = tpu.memref_squeeze %dma_wait3A_616 : memref<1x128x64xf32, #tpu.memory_space<vmem>> -> memref<128x64xf32, #tpu.memory_space<vmem>>
      %dma_wait3A_618 = arith.constant 0 : i32
      %dma_wait3A_619 = tpu.memref_slice %arg5[%add3A_611, %dma_wait3A_618] : memref<200x128xi32, #tpu.memory_space<vmem>> -> memref<1x128xi32, #tpu.memory_space<vmem>>
      %dma_wait3A_620 = tpu.memref_squeeze %dma_wait3A_619 : memref<1x128xi32, #tpu.memory_space<vmem>> -> memref<128xi32, #tpu.memory_space<vmem>>
      %dma_wait3A_621 = arith.constant 0 : i32
      %dma_wait3A_622 = arith.constant 0 : i32
      %dma_wait3A_623 = tpu.memref_slice %arg3[%dma_wait3A_621, %dma_wait3A_622] : memref<1000000x64xf32, #tpu.memory_space<hbm>> -> memref<1000000x64xf32, #tpu.memory_space<hbm>>
      %dma_wait3A_624 = tpu.memref_slice %arg7[%dma_wait3A_613] : memref<8x!tpu.dma_semaphore, #tpu.memory_space<semaphore_mem>> -> memref<1x!tpu.dma_semaphore, #tpu.memory_space<semaphore_mem>>
      %dma_wait3A_625 = tpu.memref_squeeze %dma_wait3A_624 : memref<1x!tpu.dma_semaphore, #tpu.memory_space<semaphore_mem>> -> memref<!tpu.dma_semaphore, #tpu.memory_space<semaphore_mem>>
      tpu.wait_indirect_dma semaphore(%dma_wait3A_625 : memref<!tpu.dma_semaphore, #tpu.memory_space<semaphore_mem>>) src(%dma_wait3A_623 : memref<1000000x64xf32, #tpu.memory_space<hbm>>) dst(%dma_wait3A_617 : memref<128x64xf32, #tpu.memory_space<vmem>>)
      %add3A_626 = arith.constant 2 : i32
      %add3A_627 = arith.addi %mul3A_535, %add3A_626 : i32
      %mul3A_628 = arith.constant 128 : i32
      %mul3A_629 = arith.muli %add3A_627, %mul3A_628 : i32
      %add3A_630 = arith.addi %mul3A_2, %mul3A_629 : i32
      %dma_start3A_631 = arith.constant 2 : i32
      %dma_start3A_632 = arith.constant 2 : i32
      %dma_start3A_633 = arith.constant 0 : i32
      %dma_start3A_634 = arith.constant 0 : i32
      %dma_start3A_635 = tpu.memref_slice %arg6[%dma_start3A_631, %dma_start3A_633, %dma_start3A_634] : memref<8x128x64xf32, #tpu.memory_space<vmem>> -> memref<1x128x64xf32, #tpu.memory_space<vmem>>
      %dma_start3A_636 = tpu.memref_squeeze %dma_start3A_635 : memref<1x128x64xf32, #tpu.memory_space<vmem>> -> memref<128x64xf32, #tpu.memory_space<vmem>>
      %dma_start3A_637 = arith.constant 0 : i32
      %dma_start3A_638 = tpu.memref_slice %arg4[%add3A_630, %dma_start3A_637] : memref<819200x64xf32, #tpu.memory_space<hbm>> -> memref<128x64xf32, #tpu.memory_space<hbm>>
      %dma_start3A_639 = tpu.memref_slice %arg8[%dma_start3A_632] : memref<8x!tpu.dma_semaphore, #tpu.memory_space<semaphore_mem>> -> memref<1x!tpu.dma_semaphore, #tpu.memory_space<semaphore_mem>>
      %dma_start3A_640 = tpu.memref_squeeze %dma_start3A_639 : memref<1x!tpu.dma_semaphore, #tpu.memory_space<semaphore_mem>> -> memref<!tpu.dma_semaphore, #tpu.memory_space<semaphore_mem>>
      %dma_start3A_641 = arith.constant 0 : i32
      %dma_start3A_642 = tpu.memref_slice %arg4[%add3A_630, %dma_start3A_641] : memref<819200x64xf32, #tpu.memory_space<hbm>> -> memref<128x64xf32, #tpu.memory_space<hbm>>
      %dma_start3A_643 = arith.constant 0 : i32
      %dma_start3A_644 = arith.constant 0 : i32
      %dma_start3A_645 = tpu.memref_slice %arg6[%dma_start3A_631, %dma_start3A_643, %dma_start3A_644] : memref<8x128x64xf32, #tpu.memory_space<vmem>> -> memref<1x128x64xf32, #tpu.memory_space<vmem>>
      %dma_start3A_646 = tpu.memref_squeeze %dma_start3A_645 : memref<1x128x64xf32, #tpu.memory_space<vmem>> -> memref<128x64xf32, #tpu.memory_space<vmem>>
      tpu.enqueue_dma source(%dma_start3A_646 : memref<128x64xf32, #tpu.memory_space<vmem>>) target(%dma_start3A_642 : memref<128x64xf32, #tpu.memory_space<hbm>>) target_semaphore(%dma_start3A_640 : memref<!tpu.dma_semaphore, #tpu.memory_space<semaphore_mem>>)
      %add3A_647 = arith.constant 3 : i32
      %add3A_648 = arith.addi %mul3A_535, %add3A_647 : i32
      %dma_wait3A_649 = arith.constant 3 : i32
      %dma_wait3A_650 = arith.constant 3 : i32
      %dma_wait3A_651 = arith.constant 0 : i32
      %dma_wait3A_652 = arith.constant 0 : i32
      %dma_wait3A_653 = tpu.memref_slice %arg6[%dma_wait3A_649, %dma_wait3A_651, %dma_wait3A_652] : memref<8x128x64xf32, #tpu.memory_space<vmem>> -> memref<1x128x64xf32, #tpu.memory_space<vmem>>
      %dma_wait3A_654 = tpu.memref_squeeze %dma_wait3A_653 : memref<1x128x64xf32, #tpu.memory_space<vmem>> -> memref<128x64xf32, #tpu.memory_space<vmem>>
      %dma_wait3A_655 = arith.constant 0 : i32
      %dma_wait3A_656 = tpu.memref_slice %arg5[%add3A_648, %dma_wait3A_655] : memref<200x128xi32, #tpu.memory_space<vmem>> -> memref<1x128xi32, #tpu.memory_space<vmem>>
      %dma_wait3A_657 = tpu.memref_squeeze %dma_wait3A_656 : memref<1x128xi32, #tpu.memory_space<vmem>> -> memref<128xi32, #tpu.memory_space<vmem>>
      %dma_wait3A_658 = arith.constant 0 : i32
      %dma_wait3A_659 = arith.constant 0 : i32
      %dma_wait3A_660 = tpu.memref_slice %arg3[%dma_wait3A_658, %dma_wait3A_659] : memref<1000000x64xf32, #tpu.memory_space<hbm>> -> memref<1000000x64xf32, #tpu.memory_space<hbm>>
      %dma_wait3A_661 = tpu.memref_slice %arg7[%dma_wait3A_650] : memref<8x!tpu.dma_semaphore, #tpu.memory_space<semaphore_mem>> -> memref<1x!tpu.dma_semaphore, #tpu.memory_space<semaphore_mem>>
      %dma_wait3A_662 = tpu.memref_squeeze %dma_wait3A_661 : memref<1x!tpu.dma_semaphore, #tpu.memory_space<semaphore_mem>> -> memref<!tpu.dma_semaphore, #tpu.memory_space<semaphore_mem>>
      tpu.wait_indirect_dma semaphore(%dma_wait3A_662 : memref<!tpu.dma_semaphore, #tpu.memory_space<semaphore_mem>>) src(%dma_wait3A_660 : memref<1000000x64xf32, #tpu.memory_space<hbm>>) dst(%dma_wait3A_654 : memref<128x64xf32, #tpu.memory_space<vmem>>)
      %add3A_663 = arith.constant 3 : i32
      %add3A_664 = arith.addi %mul3A_535, %add3A_663 : i32
      %mul3A_665 = arith.constant 128 : i32
      %mul3A_666 = arith.muli %add3A_664, %mul3A_665 : i32
      %add3A_667 = arith.addi %mul3A_2, %mul3A_666 : i32
      %dma_start3A_668 = arith.constant 3 : i32
      %dma_start3A_669 = arith.constant 3 : i32
      %dma_start3A_670 = arith.constant 0 : i32
      %dma_start3A_671 = arith.constant 0 : i32
      %dma_start3A_672 = tpu.memref_slice %arg6[%dma_start3A_668, %dma_start3A_670, %dma_start3A_671] : memref<8x128x64xf32, #tpu.memory_space<vmem>> -> memref<1x128x64xf32, #tpu.memory_space<vmem>>
      %dma_start3A_673 = tpu.memref_squeeze %dma_start3A_672 : memref<1x128x64xf32, #tpu.memory_space<vmem>> -> memref<128x64xf32, #tpu.memory_space<vmem>>
      %dma_start3A_674 = arith.constant 0 : i32
      %dma_start3A_675 = tpu.memref_slice %arg4[%add3A_667, %dma_start3A_674] : memref<819200x64xf32, #tpu.memory_space<hbm>> -> memref<128x64xf32, #tpu.memory_space<hbm>>
      %dma_start3A_676 = tpu.memref_slice %arg8[%dma_start3A_669] : memref<8x!tpu.dma_semaphore, #tpu.memory_space<semaphore_mem>> -> memref<1x!tpu.dma_semaphore, #tpu.memory_space<semaphore_mem>>
      %dma_start3A_677 = tpu.memref_squeeze %dma_start3A_676 : memref<1x!tpu.dma_semaphore, #tpu.memory_space<semaphore_mem>> -> memref<!tpu.dma_semaphore, #tpu.memory_space<semaphore_mem>>
      %dma_start3A_678 = arith.constant 0 : i32
      %dma_start3A_679 = tpu.memref_slice %arg4[%add3A_667, %dma_start3A_678] : memref<819200x64xf32, #tpu.memory_space<hbm>> -> memref<128x64xf32, #tpu.memory_space<hbm>>
      %dma_start3A_680 = arith.constant 0 : i32
      %dma_start3A_681 = arith.constant 0 : i32
      %dma_start3A_682 = tpu.memref_slice %arg6[%dma_start3A_668, %dma_start3A_680, %dma_start3A_681] : memref<8x128x64xf32, #tpu.memory_space<vmem>> -> memref<1x128x64xf32, #tpu.memory_space<vmem>>
      %dma_start3A_683 = tpu.memref_squeeze %dma_start3A_682 : memref<1x128x64xf32, #tpu.memory_space<vmem>> -> memref<128x64xf32, #tpu.memory_space<vmem>>
      tpu.enqueue_dma source(%dma_start3A_683 : memref<128x64xf32, #tpu.memory_space<vmem>>) target(%dma_start3A_679 : memref<128x64xf32, #tpu.memory_space<hbm>>) target_semaphore(%dma_start3A_677 : memref<!tpu.dma_semaphore, #tpu.memory_space<semaphore_mem>>)
      %add3A_684 = arith.constant 4 : i32
      %add3A_685 = arith.addi %mul3A_535, %add3A_684 : i32
      %dma_wait3A_686 = arith.constant 4 : i32
      %dma_wait3A_687 = arith.constant 4 : i32
      %dma_wait3A_688 = arith.constant 0 : i32
      %dma_wait3A_689 = arith.constant 0 : i32
      %dma_wait3A_690 = tpu.memref_slice %arg6[%dma_wait3A_686, %dma_wait3A_688, %dma_wait3A_689] : memref<8x128x64xf32, #tpu.memory_space<vmem>> -> memref<1x128x64xf32, #tpu.memory_space<vmem>>
      %dma_wait3A_691 = tpu.memref_squeeze %dma_wait3A_690 : memref<1x128x64xf32, #tpu.memory_space<vmem>> -> memref<128x64xf32, #tpu.memory_space<vmem>>
      %dma_wait3A_692 = arith.constant 0 : i32
      %dma_wait3A_693 = tpu.memref_slice %arg5[%add3A_685, %dma_wait3A_692] : memref<200x128xi32, #tpu.memory_space<vmem>> -> memref<1x128xi32, #tpu.memory_space<vmem>>
      %dma_wait3A_694 = tpu.memref_squeeze %dma_wait3A_693 : memref<1x128xi32, #tpu.memory_space<vmem>> -> memref<128xi32, #tpu.memory_space<vmem>>
      %dma_wait3A_695 = arith.constant 0 : i32
      %dma_wait3A_696 = arith.constant 0 : i32
      %dma_wait3A_697 = tpu.memref_slice %arg3[%dma_wait3A_695, %dma_wait3A_696] : memref<1000000x64xf32, #tpu.memory_space<hbm>> -> memref<1000000x64xf32, #tpu.memory_space<hbm>>
      %dma_wait3A_698 = tpu.memref_slice %arg7[%dma_wait3A_687] : memref<8x!tpu.dma_semaphore, #tpu.memory_space<semaphore_mem>> -> memref<1x!tpu.dma_semaphore, #tpu.memory_space<semaphore_mem>>
      %dma_wait3A_699 = tpu.memref_squeeze %dma_wait3A_698 : memref<1x!tpu.dma_semaphore, #tpu.memory_space<semaphore_mem>> -> memref<!tpu.dma_semaphore, #tpu.memory_space<semaphore_mem>>
      tpu.wait_indirect_dma semaphore(%dma_wait3A_699 : memref<!tpu.dma_semaphore, #tpu.memory_space<semaphore_mem>>) src(%dma_wait3A_697 : memref<1000000x64xf32, #tpu.memory_space<hbm>>) dst(%dma_wait3A_691 : memref<128x64xf32, #tpu.memory_space<vmem>>)
      %add3A_700 = arith.constant 4 : i32
      %add3A_701 = arith.addi %mul3A_535, %add3A_700 : i32
      %mul3A_702 = arith.constant 128 : i32
      %mul3A_703 = arith.muli %add3A_701, %mul3A_702 : i32
      %add3A_704 = arith.addi %mul3A_2, %mul3A_703 : i32
      %dma_start3A_705 = arith.constant 4 : i32
      %dma_start3A_706 = arith.constant 4 : i32
      %dma_start3A_707 = arith.constant 0 : i32
      %dma_start3A_708 = arith.constant 0 : i32
      %dma_start3A_709 = tpu.memref_slice %arg6[%dma_start3A_705, %dma_start3A_707, %dma_start3A_708] : memref<8x128x64xf32, #tpu.memory_space<vmem>> -> memref<1x128x64xf32, #tpu.memory_space<vmem>>
      %dma_start3A_710 = tpu.memref_squeeze %dma_start3A_709 : memref<1x128x64xf32, #tpu.memory_space<vmem>> -> memref<128x64xf32, #tpu.memory_space<vmem>>
      %dma_start3A_711 = arith.constant 0 : i32
      %dma_start3A_712 = tpu.memref_slice %arg4[%add3A_704, %dma_start3A_711] : memref<819200x64xf32, #tpu.memory_space<hbm>> -> memref<128x64xf32, #tpu.memory_space<hbm>>
      %dma_start3A_713 = tpu.memref_slice %arg8[%dma_start3A_706] : memref<8x!tpu.dma_semaphore, #tpu.memory_space<semaphore_mem>> -> memref<1x!tpu.dma_semaphore, #tpu.memory_space<semaphore_mem>>
      %dma_start3A_714 = tpu.memref_squeeze %dma_start3A_713 : memref<1x!tpu.dma_semaphore, #tpu.memory_space<semaphore_mem>> -> memref<!tpu.dma_semaphore, #tpu.memory_space<semaphore_mem>>
      %dma_start3A_715 = arith.constant 0 : i32
      %dma_start3A_716 = tpu.memref_slice %arg4[%add3A_704, %dma_start3A_715] : memref<819200x64xf32, #tpu.memory_space<hbm>> -> memref<128x64xf32, #tpu.memory_space<hbm>>
      %dma_start3A_717 = arith.constant 0 : i32
      %dma_start3A_718 = arith.constant 0 : i32
      %dma_start3A_719 = tpu.memref_slice %arg6[%dma_start3A_705, %dma_start3A_717, %dma_start3A_718] : memref<8x128x64xf32, #tpu.memory_space<vmem>> -> memref<1x128x64xf32, #tpu.memory_space<vmem>>
      %dma_start3A_720 = tpu.memref_squeeze %dma_start3A_719 : memref<1x128x64xf32, #tpu.memory_space<vmem>> -> memref<128x64xf32, #tpu.memory_space<vmem>>
      tpu.enqueue_dma source(%dma_start3A_720 : memref<128x64xf32, #tpu.memory_space<vmem>>) target(%dma_start3A_716 : memref<128x64xf32, #tpu.memory_space<hbm>>) target_semaphore(%dma_start3A_714 : memref<!tpu.dma_semaphore, #tpu.memory_space<semaphore_mem>>)
      %add3A_721 = arith.constant 5 : i32
      %add3A_722 = arith.addi %mul3A_535, %add3A_721 : i32
      %dma_wait3A_723 = arith.constant 5 : i32
      %dma_wait3A_724 = arith.constant 5 : i32
      %dma_wait3A_725 = arith.constant 0 : i32
      %dma_wait3A_726 = arith.constant 0 : i32
      %dma_wait3A_727 = tpu.memref_slice %arg6[%dma_wait3A_723, %dma_wait3A_725, %dma_wait3A_726] : memref<8x128x64xf32, #tpu.memory_space<vmem>> -> memref<1x128x64xf32, #tpu.memory_space<vmem>>
      %dma_wait3A_728 = tpu.memref_squeeze %dma_wait3A_727 : memref<1x128x64xf32, #tpu.memory_space<vmem>> -> memref<128x64xf32, #tpu.memory_space<vmem>>
      %dma_wait3A_729 = arith.constant 0 : i32
      %dma_wait3A_730 = tpu.memref_slice %arg5[%add3A_722, %dma_wait3A_729] : memref<200x128xi32, #tpu.memory_space<vmem>> -> memref<1x128xi32, #tpu.memory_space<vmem>>
      %dma_wait3A_731 = tpu.memref_squeeze %dma_wait3A_730 : memref<1x128xi32, #tpu.memory_space<vmem>> -> memref<128xi32, #tpu.memory_space<vmem>>
      %dma_wait3A_732 = arith.constant 0 : i32
      %dma_wait3A_733 = arith.constant 0 : i32
      %dma_wait3A_734 = tpu.memref_slice %arg3[%dma_wait3A_732, %dma_wait3A_733] : memref<1000000x64xf32, #tpu.memory_space<hbm>> -> memref<1000000x64xf32, #tpu.memory_space<hbm>>
      %dma_wait3A_735 = tpu.memref_slice %arg7[%dma_wait3A_724] : memref<8x!tpu.dma_semaphore, #tpu.memory_space<semaphore_mem>> -> memref<1x!tpu.dma_semaphore, #tpu.memory_space<semaphore_mem>>
      %dma_wait3A_736 = tpu.memref_squeeze %dma_wait3A_735 : memref<1x!tpu.dma_semaphore, #tpu.memory_space<semaphore_mem>> -> memref<!tpu.dma_semaphore, #tpu.memory_space<semaphore_mem>>
      tpu.wait_indirect_dma semaphore(%dma_wait3A_736 : memref<!tpu.dma_semaphore, #tpu.memory_space<semaphore_mem>>) src(%dma_wait3A_734 : memref<1000000x64xf32, #tpu.memory_space<hbm>>) dst(%dma_wait3A_728 : memref<128x64xf32, #tpu.memory_space<vmem>>)
      %add3A_737 = arith.constant 5 : i32
      %add3A_738 = arith.addi %mul3A_535, %add3A_737 : i32
      %mul3A_739 = arith.constant 128 : i32
      %mul3A_740 = arith.muli %add3A_738, %mul3A_739 : i32
      %add3A_741 = arith.addi %mul3A_2, %mul3A_740 : i32
      %dma_start3A_742 = arith.constant 5 : i32
      %dma_start3A_743 = arith.constant 5 : i32
      %dma_start3A_744 = arith.constant 0 : i32
      %dma_start3A_745 = arith.constant 0 : i32
      %dma_start3A_746 = tpu.memref_slice %arg6[%dma_start3A_742, %dma_start3A_744, %dma_start3A_745] : memref<8x128x64xf32, #tpu.memory_space<vmem>> -> memref<1x128x64xf32, #tpu.memory_space<vmem>>
      %dma_start3A_747 = tpu.memref_squeeze %dma_start3A_746 : memref<1x128x64xf32, #tpu.memory_space<vmem>> -> memref<128x64xf32, #tpu.memory_space<vmem>>
      %dma_start3A_748 = arith.constant 0 : i32
      %dma_start3A_749 = tpu.memref_slice %arg4[%add3A_741, %dma_start3A_748] : memref<819200x64xf32, #tpu.memory_space<hbm>> -> memref<128x64xf32, #tpu.memory_space<hbm>>
      %dma_start3A_750 = tpu.memref_slice %arg8[%dma_start3A_743] : memref<8x!tpu.dma_semaphore, #tpu.memory_space<semaphore_mem>> -> memref<1x!tpu.dma_semaphore, #tpu.memory_space<semaphore_mem>>
      %dma_start3A_751 = tpu.memref_squeeze %dma_start3A_750 : memref<1x!tpu.dma_semaphore, #tpu.memory_space<semaphore_mem>> -> memref<!tpu.dma_semaphore, #tpu.memory_space<semaphore_mem>>
      %dma_start3A_752 = arith.constant 0 : i32
      %dma_start3A_753 = tpu.memref_slice %arg4[%add3A_741, %dma_start3A_752] : memref<819200x64xf32, #tpu.memory_space<hbm>> -> memref<128x64xf32, #tpu.memory_space<hbm>>
      %dma_start3A_754 = arith.constant 0 : i32
      %dma_start3A_755 = arith.constant 0 : i32
      %dma_start3A_756 = tpu.memref_slice %arg6[%dma_start3A_742, %dma_start3A_754, %dma_start3A_755] : memref<8x128x64xf32, #tpu.memory_space<vmem>> -> memref<1x128x64xf32, #tpu.memory_space<vmem>>
      %dma_start3A_757 = tpu.memref_squeeze %dma_start3A_756 : memref<1x128x64xf32, #tpu.memory_space<vmem>> -> memref<128x64xf32, #tpu.memory_space<vmem>>
      tpu.enqueue_dma source(%dma_start3A_757 : memref<128x64xf32, #tpu.memory_space<vmem>>) target(%dma_start3A_753 : memref<128x64xf32, #tpu.memory_space<hbm>>) target_semaphore(%dma_start3A_751 : memref<!tpu.dma_semaphore, #tpu.memory_space<semaphore_mem>>)
      %add3A_758 = arith.constant 6 : i32
      %add3A_759 = arith.addi %mul3A_535, %add3A_758 : i32
      %dma_wait3A_760 = arith.constant 6 : i32
      %dma_wait3A_761 = arith.constant 6 : i32
      %dma_wait3A_762 = arith.constant 0 : i32
      %dma_wait3A_763 = arith.constant 0 : i32
      %dma_wait3A_764 = tpu.memref_slice %arg6[%dma_wait3A_760, %dma_wait3A_762, %dma_wait3A_763] : memref<8x128x64xf32, #tpu.memory_space<vmem>> -> memref<1x128x64xf32, #tpu.memory_space<vmem>>
      %dma_wait3A_765 = tpu.memref_squeeze %dma_wait3A_764 : memref<1x128x64xf32, #tpu.memory_space<vmem>> -> memref<128x64xf32, #tpu.memory_space<vmem>>
      %dma_wait3A_766 = arith.constant 0 : i32
      %dma_wait3A_767 = tpu.memref_slice %arg5[%add3A_759, %dma_wait3A_766] : memref<200x128xi32, #tpu.memory_space<vmem>> -> memref<1x128xi32, #tpu.memory_space<vmem>>
      %dma_wait3A_768 = tpu.memref_squeeze %dma_wait3A_767 : memref<1x128xi32, #tpu.memory_space<vmem>> -> memref<128xi32, #tpu.memory_space<vmem>>
      %dma_wait3A_769 = arith.constant 0 : i32
      %dma_wait3A_770 = arith.constant 0 : i32
      %dma_wait3A_771 = tpu.memref_slice %arg3[%dma_wait3A_769, %dma_wait3A_770] : memref<1000000x64xf32, #tpu.memory_space<hbm>> -> memref<1000000x64xf32, #tpu.memory_space<hbm>>
      %dma_wait3A_772 = tpu.memref_slice %arg7[%dma_wait3A_761] : memref<8x!tpu.dma_semaphore, #tpu.memory_space<semaphore_mem>> -> memref<1x!tpu.dma_semaphore, #tpu.memory_space<semaphore_mem>>
      %dma_wait3A_773 = tpu.memref_squeeze %dma_wait3A_772 : memref<1x!tpu.dma_semaphore, #tpu.memory_space<semaphore_mem>> -> memref<!tpu.dma_semaphore, #tpu.memory_space<semaphore_mem>>
      tpu.wait_indirect_dma semaphore(%dma_wait3A_773 : memref<!tpu.dma_semaphore, #tpu.memory_space<semaphore_mem>>) src(%dma_wait3A_771 : memref<1000000x64xf32, #tpu.memory_space<hbm>>) dst(%dma_wait3A_765 : memref<128x64xf32, #tpu.memory_space<vmem>>)
      %add3A_774 = arith.constant 6 : i32
      %add3A_775 = arith.addi %mul3A_535, %add3A_774 : i32
      %mul3A_776 = arith.constant 128 : i32
      %mul3A_777 = arith.muli %add3A_775, %mul3A_776 : i32
      %add3A_778 = arith.addi %mul3A_2, %mul3A_777 : i32
      %dma_start3A_779 = arith.constant 6 : i32
      %dma_start3A_780 = arith.constant 6 : i32
      %dma_start3A_781 = arith.constant 0 : i32
      %dma_start3A_782 = arith.constant 0 : i32
      %dma_start3A_783 = tpu.memref_slice %arg6[%dma_start3A_779, %dma_start3A_781, %dma_start3A_782] : memref<8x128x64xf32, #tpu.memory_space<vmem>> -> memref<1x128x64xf32, #tpu.memory_space<vmem>>
      %dma_start3A_784 = tpu.memref_squeeze %dma_start3A_783 : memref<1x128x64xf32, #tpu.memory_space<vmem>> -> memref<128x64xf32, #tpu.memory_space<vmem>>
      %dma_start3A_785 = arith.constant 0 : i32
      %dma_start3A_786 = tpu.memref_slice %arg4[%add3A_778, %dma_start3A_785] : memref<819200x64xf32, #tpu.memory_space<hbm>> -> memref<128x64xf32, #tpu.memory_space<hbm>>
      %dma_start3A_787 = tpu.memref_slice %arg8[%dma_start3A_780] : memref<8x!tpu.dma_semaphore, #tpu.memory_space<semaphore_mem>> -> memref<1x!tpu.dma_semaphore, #tpu.memory_space<semaphore_mem>>
      %dma_start3A_788 = tpu.memref_squeeze %dma_start3A_787 : memref<1x!tpu.dma_semaphore, #tpu.memory_space<semaphore_mem>> -> memref<!tpu.dma_semaphore, #tpu.memory_space<semaphore_mem>>
      %dma_start3A_789 = arith.constant 0 : i32
      %dma_start3A_790 = tpu.memref_slice %arg4[%add3A_778, %dma_start3A_789] : memref<819200x64xf32, #tpu.memory_space<hbm>> -> memref<128x64xf32, #tpu.memory_space<hbm>>
      %dma_start3A_791 = arith.constant 0 : i32
      %dma_start3A_792 = arith.constant 0 : i32
      %dma_start3A_793 = tpu.memref_slice %arg6[%dma_start3A_779, %dma_start3A_791, %dma_start3A_792] : memref<8x128x64xf32, #tpu.memory_space<vmem>> -> memref<1x128x64xf32, #tpu.memory_space<vmem>>
      %dma_start3A_794 = tpu.memref_squeeze %dma_start3A_793 : memref<1x128x64xf32, #tpu.memory_space<vmem>> -> memref<128x64xf32, #tpu.memory_space<vmem>>
      tpu.enqueue_dma source(%dma_start3A_794 : memref<128x64xf32, #tpu.memory_space<vmem>>) target(%dma_start3A_790 : memref<128x64xf32, #tpu.memory_space<hbm>>) target_semaphore(%dma_start3A_788 : memref<!tpu.dma_semaphore, #tpu.memory_space<semaphore_mem>>)
      %add3A_795 = arith.constant 7 : i32
      %add3A_796 = arith.addi %mul3A_535, %add3A_795 : i32
      %dma_wait3A_797 = arith.constant 7 : i32
      %dma_wait3A_798 = arith.constant 7 : i32
      %dma_wait3A_799 = arith.constant 0 : i32
      %dma_wait3A_800 = arith.constant 0 : i32
      %dma_wait3A_801 = tpu.memref_slice %arg6[%dma_wait3A_797, %dma_wait3A_799, %dma_wait3A_800] : memref<8x128x64xf32, #tpu.memory_space<vmem>> -> memref<1x128x64xf32, #tpu.memory_space<vmem>>
      %dma_wait3A_802 = tpu.memref_squeeze %dma_wait3A_801 : memref<1x128x64xf32, #tpu.memory_space<vmem>> -> memref<128x64xf32, #tpu.memory_space<vmem>>
      %dma_wait3A_803 = arith.constant 0 : i32
      %dma_wait3A_804 = tpu.memref_slice %arg5[%add3A_796, %dma_wait3A_803] : memref<200x128xi32, #tpu.memory_space<vmem>> -> memref<1x128xi32, #tpu.memory_space<vmem>>
      %dma_wait3A_805 = tpu.memref_squeeze %dma_wait3A_804 : memref<1x128xi32, #tpu.memory_space<vmem>> -> memref<128xi32, #tpu.memory_space<vmem>>
      %dma_wait3A_806 = arith.constant 0 : i32
      %dma_wait3A_807 = arith.constant 0 : i32
      %dma_wait3A_808 = tpu.memref_slice %arg3[%dma_wait3A_806, %dma_wait3A_807] : memref<1000000x64xf32, #tpu.memory_space<hbm>> -> memref<1000000x64xf32, #tpu.memory_space<hbm>>
      %dma_wait3A_809 = tpu.memref_slice %arg7[%dma_wait3A_798] : memref<8x!tpu.dma_semaphore, #tpu.memory_space<semaphore_mem>> -> memref<1x!tpu.dma_semaphore, #tpu.memory_space<semaphore_mem>>
      %dma_wait3A_810 = tpu.memref_squeeze %dma_wait3A_809 : memref<1x!tpu.dma_semaphore, #tpu.memory_space<semaphore_mem>> -> memref<!tpu.dma_semaphore, #tpu.memory_space<semaphore_mem>>
      tpu.wait_indirect_dma semaphore(%dma_wait3A_810 : memref<!tpu.dma_semaphore, #tpu.memory_space<semaphore_mem>>) src(%dma_wait3A_808 : memref<1000000x64xf32, #tpu.memory_space<hbm>>) dst(%dma_wait3A_802 : memref<128x64xf32, #tpu.memory_space<vmem>>)
      %add3A_811 = arith.constant 7 : i32
      %add3A_812 = arith.addi %mul3A_535, %add3A_811 : i32
      %mul3A_813 = arith.constant 128 : i32
      %mul3A_814 = arith.muli %add3A_812, %mul3A_813 : i32
      %add3A_815 = arith.addi %mul3A_2, %mul3A_814 : i32
      %dma_start3A_816 = arith.constant 7 : i32
      %dma_start3A_817 = arith.constant 7 : i32
      %dma_start3A_818 = arith.constant 0 : i32
      %dma_start3A_819 = arith.constant 0 : i32
      %dma_start3A_820 = tpu.memref_slice %arg6[%dma_start3A_816, %dma_start3A_818, %dma_start3A_819] : memref<8x128x64xf32, #tpu.memory_space<vmem>> -> memref<1x128x64xf32, #tpu.memory_space<vmem>>
      %dma_start3A_821 = tpu.memref_squeeze %dma_start3A_820 : memref<1x128x64xf32, #tpu.memory_space<vmem>> -> memref<128x64xf32, #tpu.memory_space<vmem>>
      %dma_start3A_822 = arith.constant 0 : i32
      %dma_start3A_823 = tpu.memref_slice %arg4[%add3A_815, %dma_start3A_822] : memref<819200x64xf32, #tpu.memory_space<hbm>> -> memref<128x64xf32, #tpu.memory_space<hbm>>
      %dma_start3A_824 = tpu.memref_slice %arg8[%dma_start3A_817] : memref<8x!tpu.dma_semaphore, #tpu.memory_space<semaphore_mem>> -> memref<1x!tpu.dma_semaphore, #tpu.memory_space<semaphore_mem>>
      %dma_start3A_825 = tpu.memref_squeeze %dma_start3A_824 : memref<1x!tpu.dma_semaphore, #tpu.memory_space<semaphore_mem>> -> memref<!tpu.dma_semaphore, #tpu.memory_space<semaphore_mem>>
      %dma_start3A_826 = arith.constant 0 : i32
      %dma_start3A_827 = tpu.memref_slice %arg4[%add3A_815, %dma_start3A_826] : memref<819200x64xf32, #tpu.memory_space<hbm>> -> memref<128x64xf32, #tpu.memory_space<hbm>>
      %dma_start3A_828 = arith.constant 0 : i32
      %dma_start3A_829 = arith.constant 0 : i32
      %dma_start3A_830 = tpu.memref_slice %arg6[%dma_start3A_816, %dma_start3A_828, %dma_start3A_829] : memref<8x128x64xf32, #tpu.memory_space<vmem>> -> memref<1x128x64xf32, #tpu.memory_space<vmem>>
      %dma_start3A_831 = tpu.memref_squeeze %dma_start3A_830 : memref<1x128x64xf32, #tpu.memory_space<vmem>> -> memref<128x64xf32, #tpu.memory_space<vmem>>
      tpu.enqueue_dma source(%dma_start3A_831 : memref<128x64xf32, #tpu.memory_space<vmem>>) target(%dma_start3A_827 : memref<128x64xf32, #tpu.memory_space<hbm>>) target_semaphore(%dma_start3A_825 : memref<!tpu.dma_semaphore, #tpu.memory_space<semaphore_mem>>)
      %add3A_832 = arith.constant 8 : i32
      %add3A_833 = arith.addi %mul3A_535, %add3A_832 : i32
      %add3A_834 = arith.constant 0 : i32
      %add3A_835 = arith.addi %mul3A_535, %add3A_834 : i32
      %mul3A_836 = arith.constant 128 : i32
      %mul3A_837 = arith.muli %add3A_835, %mul3A_836 : i32
      %add3A_838 = arith.addi %mul3A_2, %mul3A_837 : i32
      %dma_wait3A_839 = arith.constant 0 : i32
      %dma_wait3A_840 = arith.constant 0 : i32
      %dma_wait3A_841 = arith.constant 0 : i32
      %dma_wait3A_842 = arith.constant 0 : i32
      %dma_wait3A_843 = tpu.memref_slice %arg6[%dma_wait3A_839, %dma_wait3A_841, %dma_wait3A_842] : memref<8x128x64xf32, #tpu.memory_space<vmem>> -> memref<1x128x64xf32, #tpu.memory_space<vmem>>
      %dma_wait3A_844 = tpu.memref_squeeze %dma_wait3A_843 : memref<1x128x64xf32, #tpu.memory_space<vmem>> -> memref<128x64xf32, #tpu.memory_space<vmem>>
      %dma_wait3A_845 = arith.constant 0 : i32
      %dma_wait3A_846 = tpu.memref_slice %arg4[%add3A_838, %dma_wait3A_845] : memref<819200x64xf32, #tpu.memory_space<hbm>> -> memref<128x64xf32, #tpu.memory_space<hbm>>
      %dma_wait3A_847 = tpu.memref_slice %arg8[%dma_wait3A_840] : memref<8x!tpu.dma_semaphore, #tpu.memory_space<semaphore_mem>> -> memref<1x!tpu.dma_semaphore, #tpu.memory_space<semaphore_mem>>
      %dma_wait3A_848 = tpu.memref_squeeze %dma_wait3A_847 : memref<1x!tpu.dma_semaphore, #tpu.memory_space<semaphore_mem>> -> memref<!tpu.dma_semaphore, #tpu.memory_space<semaphore_mem>>
      %dma_wait3A_849 = arith.constant 0 : i32
      %dma_wait3A_850 = tpu.memref_slice %arg4[%add3A_838, %dma_wait3A_849] : memref<819200x64xf32, #tpu.memory_space<hbm>> -> memref<128x64xf32, #tpu.memory_space<hbm>>
      %dma_wait3A_851 = arith.constant 0 : i32
      %dma_wait3A_852 = arith.constant 0 : i32
      %dma_wait3A_853 = tpu.memref_slice %arg6[%dma_wait3A_839, %dma_wait3A_851, %dma_wait3A_852] : memref<8x128x64xf32, #tpu.memory_space<vmem>> -> memref<1x128x64xf32, #tpu.memory_space<vmem>>
      %dma_wait3A_854 = tpu.memref_squeeze %dma_wait3A_853 : memref<1x128x64xf32, #tpu.memory_space<vmem>> -> memref<128x64xf32, #tpu.memory_space<vmem>>
      tpu.wait_dma2 semaphore(%dma_wait3A_848 : memref<!tpu.dma_semaphore, #tpu.memory_space<semaphore_mem>>) src(%dma_wait3A_854 : memref<128x64xf32, #tpu.memory_space<vmem>>) dst(%dma_wait3A_850 : memref<128x64xf32, #tpu.memory_space<hbm>>)
      %add3A_855 = arith.constant 0 : i32
      %add3A_856 = arith.addi %add3A_833, %add3A_855 : i32
      %dma_start3A_857 = arith.constant 0 : i32
      %dma_start3A_858 = arith.constant 0 : i32
      %dma_start3A_859 = arith.constant 0 : i32
      %dma_start3A_860 = arith.constant 0 : i32
      %dma_start3A_861 = tpu.memref_slice %arg6[%dma_start3A_857, %dma_start3A_859, %dma_start3A_860] : memref<8x128x64xf32, #tpu.memory_space<vmem>> -> memref<1x128x64xf32, #tpu.memory_space<vmem>>
      %dma_start3A_862 = tpu.memref_squeeze %dma_start3A_861 : memref<1x128x64xf32, #tpu.memory_space<vmem>> -> memref<128x64xf32, #tpu.memory_space<vmem>>
      %dma_start3A_863 = arith.constant 0 : i32
      %dma_start3A_864 = tpu.memref_slice %arg5[%add3A_856, %dma_start3A_863] : memref<200x128xi32, #tpu.memory_space<vmem>> -> memref<1x128xi32, #tpu.memory_space<vmem>>
      %dma_start3A_865 = tpu.memref_squeeze %dma_start3A_864 : memref<1x128xi32, #tpu.memory_space<vmem>> -> memref<128xi32, #tpu.memory_space<vmem>>
      %dma_start3A_866 = arith.constant 0 : i32
      %dma_start3A_867 = arith.constant 0 : i32
      %dma_start3A_868 = tpu.memref_slice %arg3[%dma_start3A_866, %dma_start3A_867] : memref<1000000x64xf32, #tpu.memory_space<hbm>> -> memref<1000000x64xf32, #tpu.memory_space<hbm>>
      %dma_start3A_869 = tpu.memref_slice %arg7[%dma_start3A_858] : memref<8x!tpu.dma_semaphore, #tpu.memory_space<semaphore_mem>> -> memref<1x!tpu.dma_semaphore, #tpu.memory_space<semaphore_mem>>
      %dma_start3A_870 = tpu.memref_squeeze %dma_start3A_869 : memref<1x!tpu.dma_semaphore, #tpu.memory_space<semaphore_mem>> -> memref<!tpu.dma_semaphore, #tpu.memory_space<semaphore_mem>>
      tpu.enqueue_indirect_dma source(%dma_start3A_868 : memref<1000000x64xf32, #tpu.memory_space<hbm>>) target(%dma_start3A_862 : memref<128x64xf32, #tpu.memory_space<vmem>>) offsets(%dma_start3A_865 : memref<128xi32, #tpu.memory_space<vmem>>) semaphore(%dma_start3A_870 : memref<!tpu.dma_semaphore, #tpu.memory_space<semaphore_mem>>)
      %add3A_871 = arith.constant 1 : i32
      %add3A_872 = arith.addi %mul3A_535, %add3A_871 : i32
      %mul3A_873 = arith.constant 128 : i32
      %mul3A_874 = arith.muli %add3A_872, %mul3A_873 : i32
      %add3A_875 = arith.addi %mul3A_2, %mul3A_874 : i32
      %dma_wait3A_876 = arith.constant 1 : i32
      %dma_wait3A_877 = arith.constant 1 : i32
      %dma_wait3A_878 = arith.constant 0 : i32
      %dma_wait3A_879 = arith.constant 0 : i32
      %dma_wait3A_880 = tpu.memref_slice %arg6[%dma_wait3A_876, %dma_wait3A_878, %dma_wait3A_879] : memref<8x128x64xf32, #tpu.memory_space<vmem>> -> memref<1x128x64xf32, #tpu.memory_space<vmem>>
      %dma_wait3A_881 = tpu.memref_squeeze %dma_wait3A_880 : memref<1x128x64xf32, #tpu.memory_space<vmem>> -> memref<128x64xf32, #tpu.memory_space<vmem>>
      %dma_wait3A_882 = arith.constant 0 : i32
      %dma_wait3A_883 = tpu.memref_slice %arg4[%add3A_875, %dma_wait3A_882] : memref<819200x64xf32, #tpu.memory_space<hbm>> -> memref<128x64xf32, #tpu.memory_space<hbm>>
      %dma_wait3A_884 = tpu.memref_slice %arg8[%dma_wait3A_877] : memref<8x!tpu.dma_semaphore, #tpu.memory_space<semaphore_mem>> -> memref<1x!tpu.dma_semaphore, #tpu.memory_space<semaphore_mem>>
      %dma_wait3A_885 = tpu.memref_squeeze %dma_wait3A_884 : memref<1x!tpu.dma_semaphore, #tpu.memory_space<semaphore_mem>> -> memref<!tpu.dma_semaphore, #tpu.memory_space<semaphore_mem>>
      %dma_wait3A_886 = arith.constant 0 : i32
      %dma_wait3A_887 = tpu.memref_slice %arg4[%add3A_875, %dma_wait3A_886] : memref<819200x64xf32, #tpu.memory_space<hbm>> -> memref<128x64xf32, #tpu.memory_space<hbm>>
      %dma_wait3A_888 = arith.constant 0 : i32
      %dma_wait3A_889 = arith.constant 0 : i32
      %dma_wait3A_890 = tpu.memref_slice %arg6[%dma_wait3A_876, %dma_wait3A_888, %dma_wait3A_889] : memref<8x128x64xf32, #tpu.memory_space<vmem>> -> memref<1x128x64xf32, #tpu.memory_space<vmem>>
      %dma_wait3A_891 = tpu.memref_squeeze %dma_wait3A_890 : memref<1x128x64xf32, #tpu.memory_space<vmem>> -> memref<128x64xf32, #tpu.memory_space<vmem>>
      tpu.wait_dma2 semaphore(%dma_wait3A_885 : memref<!tpu.dma_semaphore, #tpu.memory_space<semaphore_mem>>) src(%dma_wait3A_891 : memref<128x64xf32, #tpu.memory_space<vmem>>) dst(%dma_wait3A_887 : memref<128x64xf32, #tpu.memory_space<hbm>>)
      %add3A_892 = arith.constant 1 : i32
      %add3A_893 = arith.addi %add3A_833, %add3A_892 : i32
      %dma_start3A_894 = arith.constant 1 : i32
      %dma_start3A_895 = arith.constant 1 : i32
      %dma_start3A_896 = arith.constant 0 : i32
      %dma_start3A_897 = arith.constant 0 : i32
      %dma_start3A_898 = tpu.memref_slice %arg6[%dma_start3A_894, %dma_start3A_896, %dma_start3A_897] : memref<8x128x64xf32, #tpu.memory_space<vmem>> -> memref<1x128x64xf32, #tpu.memory_space<vmem>>
      %dma_start3A_899 = tpu.memref_squeeze %dma_start3A_898 : memref<1x128x64xf32, #tpu.memory_space<vmem>> -> memref<128x64xf32, #tpu.memory_space<vmem>>
      %dma_start3A_900 = arith.constant 0 : i32
      %dma_start3A_901 = tpu.memref_slice %arg5[%add3A_893, %dma_start3A_900] : memref<200x128xi32, #tpu.memory_space<vmem>> -> memref<1x128xi32, #tpu.memory_space<vmem>>
      %dma_start3A_902 = tpu.memref_squeeze %dma_start3A_901 : memref<1x128xi32, #tpu.memory_space<vmem>> -> memref<128xi32, #tpu.memory_space<vmem>>
      %dma_start3A_903 = arith.constant 0 : i32
      %dma_start3A_904 = arith.constant 0 : i32
      %dma_start3A_905 = tpu.memref_slice %arg3[%dma_start3A_903, %dma_start3A_904] : memref<1000000x64xf32, #tpu.memory_space<hbm>> -> memref<1000000x64xf32, #tpu.memory_space<hbm>>
      %dma_start3A_906 = tpu.memref_slice %arg7[%dma_start3A_895] : memref<8x!tpu.dma_semaphore, #tpu.memory_space<semaphore_mem>> -> memref<1x!tpu.dma_semaphore, #tpu.memory_space<semaphore_mem>>
      %dma_start3A_907 = tpu.memref_squeeze %dma_start3A_906 : memref<1x!tpu.dma_semaphore, #tpu.memory_space<semaphore_mem>> -> memref<!tpu.dma_semaphore, #tpu.memory_space<semaphore_mem>>
      tpu.enqueue_indirect_dma source(%dma_start3A_905 : memref<1000000x64xf32, #tpu.memory_space<hbm>>) target(%dma_start3A_899 : memref<128x64xf32, #tpu.memory_space<vmem>>) offsets(%dma_start3A_902 : memref<128xi32, #tpu.memory_space<vmem>>) semaphore(%dma_start3A_907 : memref<!tpu.dma_semaphore, #tpu.memory_space<semaphore_mem>>)
      %add3A_908 = arith.constant 2 : i32
      %add3A_909 = arith.addi %mul3A_535, %add3A_908 : i32
      %mul3A_910 = arith.constant 128 : i32
      %mul3A_911 = arith.muli %add3A_909, %mul3A_910 : i32
      %add3A_912 = arith.addi %mul3A_2, %mul3A_911 : i32
      %dma_wait3A_913 = arith.constant 2 : i32
      %dma_wait3A_914 = arith.constant 2 : i32
      %dma_wait3A_915 = arith.constant 0 : i32
      %dma_wait3A_916 = arith.constant 0 : i32
      %dma_wait3A_917 = tpu.memref_slice %arg6[%dma_wait3A_913, %dma_wait3A_915, %dma_wait3A_916] : memref<8x128x64xf32, #tpu.memory_space<vmem>> -> memref<1x128x64xf32, #tpu.memory_space<vmem>>
      %dma_wait3A_918 = tpu.memref_squeeze %dma_wait3A_917 : memref<1x128x64xf32, #tpu.memory_space<vmem>> -> memref<128x64xf32, #tpu.memory_space<vmem>>
      %dma_wait3A_919 = arith.constant 0 : i32
      %dma_wait3A_920 = tpu.memref_slice %arg4[%add3A_912, %dma_wait3A_919] : memref<819200x64xf32, #tpu.memory_space<hbm>> -> memref<128x64xf32, #tpu.memory_space<hbm>>
      %dma_wait3A_921 = tpu.memref_slice %arg8[%dma_wait3A_914] : memref<8x!tpu.dma_semaphore, #tpu.memory_space<semaphore_mem>> -> memref<1x!tpu.dma_semaphore, #tpu.memory_space<semaphore_mem>>
      %dma_wait3A_922 = tpu.memref_squeeze %dma_wait3A_921 : memref<1x!tpu.dma_semaphore, #tpu.memory_space<semaphore_mem>> -> memref<!tpu.dma_semaphore, #tpu.memory_space<semaphore_mem>>
      %dma_wait3A_923 = arith.constant 0 : i32
      %dma_wait3A_924 = tpu.memref_slice %arg4[%add3A_912, %dma_wait3A_923] : memref<819200x64xf32, #tpu.memory_space<hbm>> -> memref<128x64xf32, #tpu.memory_space<hbm>>
      %dma_wait3A_925 = arith.constant 0 : i32
      %dma_wait3A_926 = arith.constant 0 : i32
      %dma_wait3A_927 = tpu.memref_slice %arg6[%dma_wait3A_913, %dma_wait3A_925, %dma_wait3A_926] : memref<8x128x64xf32, #tpu.memory_space<vmem>> -> memref<1x128x64xf32, #tpu.memory_space<vmem>>
      %dma_wait3A_928 = tpu.memref_squeeze %dma_wait3A_927 : memref<1x128x64xf32, #tpu.memory_space<vmem>> -> memref<128x64xf32, #tpu.memory_space<vmem>>
      tpu.wait_dma2 semaphore(%dma_wait3A_922 : memref<!tpu.dma_semaphore, #tpu.memory_space<semaphore_mem>>) src(%dma_wait3A_928 : memref<128x64xf32, #tpu.memory_space<vmem>>) dst(%dma_wait3A_924 : memref<128x64xf32, #tpu.memory_space<hbm>>)
      %add3A_929 = arith.constant 2 : i32
      %add3A_930 = arith.addi %add3A_833, %add3A_929 : i32
      %dma_start3A_931 = arith.constant 2 : i32
      %dma_start3A_932 = arith.constant 2 : i32
      %dma_start3A_933 = arith.constant 0 : i32
      %dma_start3A_934 = arith.constant 0 : i32
      %dma_start3A_935 = tpu.memref_slice %arg6[%dma_start3A_931, %dma_start3A_933, %dma_start3A_934] : memref<8x128x64xf32, #tpu.memory_space<vmem>> -> memref<1x128x64xf32, #tpu.memory_space<vmem>>
      %dma_start3A_936 = tpu.memref_squeeze %dma_start3A_935 : memref<1x128x64xf32, #tpu.memory_space<vmem>> -> memref<128x64xf32, #tpu.memory_space<vmem>>
      %dma_start3A_937 = arith.constant 0 : i32
      %dma_start3A_938 = tpu.memref_slice %arg5[%add3A_930, %dma_start3A_937] : memref<200x128xi32, #tpu.memory_space<vmem>> -> memref<1x128xi32, #tpu.memory_space<vmem>>
      %dma_start3A_939 = tpu.memref_squeeze %dma_start3A_938 : memref<1x128xi32, #tpu.memory_space<vmem>> -> memref<128xi32, #tpu.memory_space<vmem>>
      %dma_start3A_940 = arith.constant 0 : i32
      %dma_start3A_941 = arith.constant 0 : i32
      %dma_start3A_942 = tpu.memref_slice %arg3[%dma_start3A_940, %dma_start3A_941] : memref<1000000x64xf32, #tpu.memory_space<hbm>> -> memref<1000000x64xf32, #tpu.memory_space<hbm>>
      %dma_start3A_943 = tpu.memref_slice %arg7[%dma_start3A_932] : memref<8x!tpu.dma_semaphore, #tpu.memory_space<semaphore_mem>> -> memref<1x!tpu.dma_semaphore, #tpu.memory_space<semaphore_mem>>
      %dma_start3A_944 = tpu.memref_squeeze %dma_start3A_943 : memref<1x!tpu.dma_semaphore, #tpu.memory_space<semaphore_mem>> -> memref<!tpu.dma_semaphore, #tpu.memory_space<semaphore_mem>>
      tpu.enqueue_indirect_dma source(%dma_start3A_942 : memref<1000000x64xf32, #tpu.memory_space<hbm>>) target(%dma_start3A_936 : memref<128x64xf32, #tpu.memory_space<vmem>>) offsets(%dma_start3A_939 : memref<128xi32, #tpu.memory_space<vmem>>) semaphore(%dma_start3A_944 : memref<!tpu.dma_semaphore, #tpu.memory_space<semaphore_mem>>)
      %add3A_945 = arith.constant 3 : i32
      %add3A_946 = arith.addi %mul3A_535, %add3A_945 : i32
      %mul3A_947 = arith.constant 128 : i32
      %mul3A_948 = arith.muli %add3A_946, %mul3A_947 : i32
      %add3A_949 = arith.addi %mul3A_2, %mul3A_948 : i32
      %dma_wait3A_950 = arith.constant 3 : i32
      %dma_wait3A_951 = arith.constant 3 : i32
      %dma_wait3A_952 = arith.constant 0 : i32
      %dma_wait3A_953 = arith.constant 0 : i32
      %dma_wait3A_954 = tpu.memref_slice %arg6[%dma_wait3A_950, %dma_wait3A_952, %dma_wait3A_953] : memref<8x128x64xf32, #tpu.memory_space<vmem>> -> memref<1x128x64xf32, #tpu.memory_space<vmem>>
      %dma_wait3A_955 = tpu.memref_squeeze %dma_wait3A_954 : memref<1x128x64xf32, #tpu.memory_space<vmem>> -> memref<128x64xf32, #tpu.memory_space<vmem>>
      %dma_wait3A_956 = arith.constant 0 : i32
      %dma_wait3A_957 = tpu.memref_slice %arg4[%add3A_949, %dma_wait3A_956] : memref<819200x64xf32, #tpu.memory_space<hbm>> -> memref<128x64xf32, #tpu.memory_space<hbm>>
      %dma_wait3A_958 = tpu.memref_slice %arg8[%dma_wait3A_951] : memref<8x!tpu.dma_semaphore, #tpu.memory_space<semaphore_mem>> -> memref<1x!tpu.dma_semaphore, #tpu.memory_space<semaphore_mem>>
      %dma_wait3A_959 = tpu.memref_squeeze %dma_wait3A_958 : memref<1x!tpu.dma_semaphore, #tpu.memory_space<semaphore_mem>> -> memref<!tpu.dma_semaphore, #tpu.memory_space<semaphore_mem>>
      %dma_wait3A_960 = arith.constant 0 : i32
      %dma_wait3A_961 = tpu.memref_slice %arg4[%add3A_949, %dma_wait3A_960] : memref<819200x64xf32, #tpu.memory_space<hbm>> -> memref<128x64xf32, #tpu.memory_space<hbm>>
      %dma_wait3A_962 = arith.constant 0 : i32
      %dma_wait3A_963 = arith.constant 0 : i32
      %dma_wait3A_964 = tpu.memref_slice %arg6[%dma_wait3A_950, %dma_wait3A_962, %dma_wait3A_963] : memref<8x128x64xf32, #tpu.memory_space<vmem>> -> memref<1x128x64xf32, #tpu.memory_space<vmem>>
      %dma_wait3A_965 = tpu.memref_squeeze %dma_wait3A_964 : memref<1x128x64xf32, #tpu.memory_space<vmem>> -> memref<128x64xf32, #tpu.memory_space<vmem>>
      tpu.wait_dma2 semaphore(%dma_wait3A_959 : memref<!tpu.dma_semaphore, #tpu.memory_space<semaphore_mem>>) src(%dma_wait3A_965 : memref<128x64xf32, #tpu.memory_space<vmem>>) dst(%dma_wait3A_961 : memref<128x64xf32, #tpu.memory_space<hbm>>)
      %add3A_966 = arith.constant 3 : i32
      %add3A_967 = arith.addi %add3A_833, %add3A_966 : i32
      %dma_start3A_968 = arith.constant 3 : i32
      %dma_start3A_969 = arith.constant 3 : i32
      %dma_start3A_970 = arith.constant 0 : i32
      %dma_start3A_971 = arith.constant 0 : i32
      %dma_start3A_972 = tpu.memref_slice %arg6[%dma_start3A_968, %dma_start3A_970, %dma_start3A_971] : memref<8x128x64xf32, #tpu.memory_space<vmem>> -> memref<1x128x64xf32, #tpu.memory_space<vmem>>
      %dma_start3A_973 = tpu.memref_squeeze %dma_start3A_972 : memref<1x128x64xf32, #tpu.memory_space<vmem>> -> memref<128x64xf32, #tpu.memory_space<vmem>>
      %dma_start3A_974 = arith.constant 0 : i32
      %dma_start3A_975 = tpu.memref_slice %arg5[%add3A_967, %dma_start3A_974] : memref<200x128xi32, #tpu.memory_space<vmem>> -> memref<1x128xi32, #tpu.memory_space<vmem>>
      %dma_start3A_976 = tpu.memref_squeeze %dma_start3A_975 : memref<1x128xi32, #tpu.memory_space<vmem>> -> memref<128xi32, #tpu.memory_space<vmem>>
      %dma_start3A_977 = arith.constant 0 : i32
      %dma_start3A_978 = arith.constant 0 : i32
      %dma_start3A_979 = tpu.memref_slice %arg3[%dma_start3A_977, %dma_start3A_978] : memref<1000000x64xf32, #tpu.memory_space<hbm>> -> memref<1000000x64xf32, #tpu.memory_space<hbm>>
      %dma_start3A_980 = tpu.memref_slice %arg7[%dma_start3A_969] : memref<8x!tpu.dma_semaphore, #tpu.memory_space<semaphore_mem>> -> memref<1x!tpu.dma_semaphore, #tpu.memory_space<semaphore_mem>>
      %dma_start3A_981 = tpu.memref_squeeze %dma_start3A_980 : memref<1x!tpu.dma_semaphore, #tpu.memory_space<semaphore_mem>> -> memref<!tpu.dma_semaphore, #tpu.memory_space<semaphore_mem>>
      tpu.enqueue_indirect_dma source(%dma_start3A_979 : memref<1000000x64xf32, #tpu.memory_space<hbm>>) target(%dma_start3A_973 : memref<128x64xf32, #tpu.memory_space<vmem>>) offsets(%dma_start3A_976 : memref<128xi32, #tpu.memory_space<vmem>>) semaphore(%dma_start3A_981 : memref<!tpu.dma_semaphore, #tpu.memory_space<semaphore_mem>>)
      %add3A_982 = arith.constant 4 : i32
      %add3A_983 = arith.addi %mul3A_535, %add3A_982 : i32
      %mul3A_984 = arith.constant 128 : i32
      %mul3A_985 = arith.muli %add3A_983, %mul3A_984 : i32
      %add3A_986 = arith.addi %mul3A_2, %mul3A_985 : i32
      %dma_wait3A_987 = arith.constant 4 : i32
      %dma_wait3A_988 = arith.constant 4 : i32
      %dma_wait3A_989 = arith.constant 0 : i32
      %dma_wait3A_990 = arith.constant 0 : i32
      %dma_wait3A_991 = tpu.memref_slice %arg6[%dma_wait3A_987, %dma_wait3A_989, %dma_wait3A_990] : memref<8x128x64xf32, #tpu.memory_space<vmem>> -> memref<1x128x64xf32, #tpu.memory_space<vmem>>
      %dma_wait3A_992 = tpu.memref_squeeze %dma_wait3A_991 : memref<1x128x64xf32, #tpu.memory_space<vmem>> -> memref<128x64xf32, #tpu.memory_space<vmem>>
      %dma_wait3A_993 = arith.constant 0 : i32
      %dma_wait3A_994 = tpu.memref_slice %arg4[%add3A_986, %dma_wait3A_993] : memref<819200x64xf32, #tpu.memory_space<hbm>> -> memref<128x64xf32, #tpu.memory_space<hbm>>
      %dma_wait3A_995 = tpu.memref_slice %arg8[%dma_wait3A_988] : memref<8x!tpu.dma_semaphore, #tpu.memory_space<semaphore_mem>> -> memref<1x!tpu.dma_semaphore, #tpu.memory_space<semaphore_mem>>
      %dma_wait3A_996 = tpu.memref_squeeze %dma_wait3A_995 : memref<1x!tpu.dma_semaphore, #tpu.memory_space<semaphore_mem>> -> memref<!tpu.dma_semaphore, #tpu.memory_space<semaphore_mem>>
      %dma_wait3A_997 = arith.constant 0 : i32
      %dma_wait3A_998 = tpu.memref_slice %arg4[%add3A_986, %dma_wait3A_997] : memref<819200x64xf32, #tpu.memory_space<hbm>> -> memref<128x64xf32, #tpu.memory_space<hbm>>
      %dma_wait3A_999 = arith.constant 0 : i32
      %dma_wait3A_1000 = arith.constant 0 : i32
      %dma_wait3A_1001 = tpu.memref_slice %arg6[%dma_wait3A_987, %dma_wait3A_999, %dma_wait3A_1000] : memref<8x128x64xf32, #tpu.memory_space<vmem>> -> memref<1x128x64xf32, #tpu.memory_space<vmem>>
      %dma_wait3A_1002 = tpu.memref_squeeze %dma_wait3A_1001 : memref<1x128x64xf32, #tpu.memory_space<vmem>> -> memref<128x64xf32, #tpu.memory_space<vmem>>
      tpu.wait_dma2 semaphore(%dma_wait3A_996 : memref<!tpu.dma_semaphore, #tpu.memory_space<semaphore_mem>>) src(%dma_wait3A_1002 : memref<128x64xf32, #tpu.memory_space<vmem>>) dst(%dma_wait3A_998 : memref<128x64xf32, #tpu.memory_space<hbm>>)
      %add3A_1003 = arith.constant 4 : i32
      %add3A_1004 = arith.addi %add3A_833, %add3A_1003 : i32
      %dma_start3A_1005 = arith.constant 4 : i32
      %dma_start3A_1006 = arith.constant 4 : i32
      %dma_start3A_1007 = arith.constant 0 : i32
      %dma_start3A_1008 = arith.constant 0 : i32
      %dma_start3A_1009 = tpu.memref_slice %arg6[%dma_start3A_1005, %dma_start3A_1007, %dma_start3A_1008] : memref<8x128x64xf32, #tpu.memory_space<vmem>> -> memref<1x128x64xf32, #tpu.memory_space<vmem>>
      %dma_start3A_1010 = tpu.memref_squeeze %dma_start3A_1009 : memref<1x128x64xf32, #tpu.memory_space<vmem>> -> memref<128x64xf32, #tpu.memory_space<vmem>>
      %dma_start3A_1011 = arith.constant 0 : i32
      %dma_start3A_1012 = tpu.memref_slice %arg5[%add3A_1004, %dma_start3A_1011] : memref<200x128xi32, #tpu.memory_space<vmem>> -> memref<1x128xi32, #tpu.memory_space<vmem>>
      %dma_start3A_1013 = tpu.memref_squeeze %dma_start3A_1012 : memref<1x128xi32, #tpu.memory_space<vmem>> -> memref<128xi32, #tpu.memory_space<vmem>>
      %dma_start3A_1014 = arith.constant 0 : i32
      %dma_start3A_1015 = arith.constant 0 : i32
      %dma_start3A_1016 = tpu.memref_slice %arg3[%dma_start3A_1014, %dma_start3A_1015] : memref<1000000x64xf32, #tpu.memory_space<hbm>> -> memref<1000000x64xf32, #tpu.memory_space<hbm>>
      %dma_start3A_1017 = tpu.memref_slice %arg7[%dma_start3A_1006] : memref<8x!tpu.dma_semaphore, #tpu.memory_space<semaphore_mem>> -> memref<1x!tpu.dma_semaphore, #tpu.memory_space<semaphore_mem>>
      %dma_start3A_1018 = tpu.memref_squeeze %dma_start3A_1017 : memref<1x!tpu.dma_semaphore, #tpu.memory_space<semaphore_mem>> -> memref<!tpu.dma_semaphore, #tpu.memory_space<semaphore_mem>>
      tpu.enqueue_indirect_dma source(%dma_start3A_1016 : memref<1000000x64xf32, #tpu.memory_space<hbm>>) target(%dma_start3A_1010 : memref<128x64xf32, #tpu.memory_space<vmem>>) offsets(%dma_start3A_1013 : memref<128xi32, #tpu.memory_space<vmem>>) semaphore(%dma_start3A_1018 : memref<!tpu.dma_semaphore, #tpu.memory_space<semaphore_mem>>)
      %add3A_1019 = arith.constant 5 : i32
      %add3A_1020 = arith.addi %mul3A_535, %add3A_1019 : i32
      %mul3A_1021 = arith.constant 128 : i32
      %mul3A_1022 = arith.muli %add3A_1020, %mul3A_1021 : i32
      %add3A_1023 = arith.addi %mul3A_2, %mul3A_1022 : i32
      %dma_wait3A_1024 = arith.constant 5 : i32
      %dma_wait3A_1025 = arith.constant 5 : i32
      %dma_wait3A_1026 = arith.constant 0 : i32
      %dma_wait3A_1027 = arith.constant 0 : i32
      %dma_wait3A_1028 = tpu.memref_slice %arg6[%dma_wait3A_1024, %dma_wait3A_1026, %dma_wait3A_1027] : memref<8x128x64xf32, #tpu.memory_space<vmem>> -> memref<1x128x64xf32, #tpu.memory_space<vmem>>
      %dma_wait3A_1029 = tpu.memref_squeeze %dma_wait3A_1028 : memref<1x128x64xf32, #tpu.memory_space<vmem>> -> memref<128x64xf32, #tpu.memory_space<vmem>>
      %dma_wait3A_1030 = arith.constant 0 : i32
      %dma_wait3A_1031 = tpu.memref_slice %arg4[%add3A_1023, %dma_wait3A_1030] : memref<819200x64xf32, #tpu.memory_space<hbm>> -> memref<128x64xf32, #tpu.memory_space<hbm>>
      %dma_wait3A_1032 = tpu.memref_slice %arg8[%dma_wait3A_1025] : memref<8x!tpu.dma_semaphore, #tpu.memory_space<semaphore_mem>> -> memref<1x!tpu.dma_semaphore, #tpu.memory_space<semaphore_mem>>
      %dma_wait3A_1033 = tpu.memref_squeeze %dma_wait3A_1032 : memref<1x!tpu.dma_semaphore, #tpu.memory_space<semaphore_mem>> -> memref<!tpu.dma_semaphore, #tpu.memory_space<semaphore_mem>>
      %dma_wait3A_1034 = arith.constant 0 : i32
      %dma_wait3A_1035 = tpu.memref_slice %arg4[%add3A_1023, %dma_wait3A_1034] : memref<819200x64xf32, #tpu.memory_space<hbm>> -> memref<128x64xf32, #tpu.memory_space<hbm>>
      %dma_wait3A_1036 = arith.constant 0 : i32
      %dma_wait3A_1037 = arith.constant 0 : i32
      %dma_wait3A_1038 = tpu.memref_slice %arg6[%dma_wait3A_1024, %dma_wait3A_1036, %dma_wait3A_1037] : memref<8x128x64xf32, #tpu.memory_space<vmem>> -> memref<1x128x64xf32, #tpu.memory_space<vmem>>
      %dma_wait3A_1039 = tpu.memref_squeeze %dma_wait3A_1038 : memref<1x128x64xf32, #tpu.memory_space<vmem>> -> memref<128x64xf32, #tpu.memory_space<vmem>>
      tpu.wait_dma2 semaphore(%dma_wait3A_1033 : memref<!tpu.dma_semaphore, #tpu.memory_space<semaphore_mem>>) src(%dma_wait3A_1039 : memref<128x64xf32, #tpu.memory_space<vmem>>) dst(%dma_wait3A_1035 : memref<128x64xf32, #tpu.memory_space<hbm>>)
      %add3A_1040 = arith.constant 5 : i32
      %add3A_1041 = arith.addi %add3A_833, %add3A_1040 : i32
      %dma_start3A_1042 = arith.constant 5 : i32
      %dma_start3A_1043 = arith.constant 5 : i32
      %dma_start3A_1044 = arith.constant 0 : i32
      %dma_start3A_1045 = arith.constant 0 : i32
      %dma_start3A_1046 = tpu.memref_slice %arg6[%dma_start3A_1042, %dma_start3A_1044, %dma_start3A_1045] : memref<8x128x64xf32, #tpu.memory_space<vmem>> -> memref<1x128x64xf32, #tpu.memory_space<vmem>>
      %dma_start3A_1047 = tpu.memref_squeeze %dma_start3A_1046 : memref<1x128x64xf32, #tpu.memory_space<vmem>> -> memref<128x64xf32, #tpu.memory_space<vmem>>
      %dma_start3A_1048 = arith.constant 0 : i32
      %dma_start3A_1049 = tpu.memref_slice %arg5[%add3A_1041, %dma_start3A_1048] : memref<200x128xi32, #tpu.memory_space<vmem>> -> memref<1x128xi32, #tpu.memory_space<vmem>>
      %dma_start3A_1050 = tpu.memref_squeeze %dma_start3A_1049 : memref<1x128xi32, #tpu.memory_space<vmem>> -> memref<128xi32, #tpu.memory_space<vmem>>
      %dma_start3A_1051 = arith.constant 0 : i32
      %dma_start3A_1052 = arith.constant 0 : i32
      %dma_start3A_1053 = tpu.memref_slice %arg3[%dma_start3A_1051, %dma_start3A_1052] : memref<1000000x64xf32, #tpu.memory_space<hbm>> -> memref<1000000x64xf32, #tpu.memory_space<hbm>>
      %dma_start3A_1054 = tpu.memref_slice %arg7[%dma_start3A_1043] : memref<8x!tpu.dma_semaphore, #tpu.memory_space<semaphore_mem>> -> memref<1x!tpu.dma_semaphore, #tpu.memory_space<semaphore_mem>>
      %dma_start3A_1055 = tpu.memref_squeeze %dma_start3A_1054 : memref<1x!tpu.dma_semaphore, #tpu.memory_space<semaphore_mem>> -> memref<!tpu.dma_semaphore, #tpu.memory_space<semaphore_mem>>
      tpu.enqueue_indirect_dma source(%dma_start3A_1053 : memref<1000000x64xf32, #tpu.memory_space<hbm>>) target(%dma_start3A_1047 : memref<128x64xf32, #tpu.memory_space<vmem>>) offsets(%dma_start3A_1050 : memref<128xi32, #tpu.memory_space<vmem>>) semaphore(%dma_start3A_1055 : memref<!tpu.dma_semaphore, #tpu.memory_space<semaphore_mem>>)
      %add3A_1056 = arith.constant 6 : i32
      %add3A_1057 = arith.addi %mul3A_535, %add3A_1056 : i32
      %mul3A_1058 = arith.constant 128 : i32
      %mul3A_1059 = arith.muli %add3A_1057, %mul3A_1058 : i32
      %add3A_1060 = arith.addi %mul3A_2, %mul3A_1059 : i32
      %dma_wait3A_1061 = arith.constant 6 : i32
      %dma_wait3A_1062 = arith.constant 6 : i32
      %dma_wait3A_1063 = arith.constant 0 : i32
      %dma_wait3A_1064 = arith.constant 0 : i32
      %dma_wait3A_1065 = tpu.memref_slice %arg6[%dma_wait3A_1061, %dma_wait3A_1063, %dma_wait3A_1064] : memref<8x128x64xf32, #tpu.memory_space<vmem>> -> memref<1x128x64xf32, #tpu.memory_space<vmem>>
      %dma_wait3A_1066 = tpu.memref_squeeze %dma_wait3A_1065 : memref<1x128x64xf32, #tpu.memory_space<vmem>> -> memref<128x64xf32, #tpu.memory_space<vmem>>
      %dma_wait3A_1067 = arith.constant 0 : i32
      %dma_wait3A_1068 = tpu.memref_slice %arg4[%add3A_1060, %dma_wait3A_1067] : memref<819200x64xf32, #tpu.memory_space<hbm>> -> memref<128x64xf32, #tpu.memory_space<hbm>>
      %dma_wait3A_1069 = tpu.memref_slice %arg8[%dma_wait3A_1062] : memref<8x!tpu.dma_semaphore, #tpu.memory_space<semaphore_mem>> -> memref<1x!tpu.dma_semaphore, #tpu.memory_space<semaphore_mem>>
      %dma_wait3A_1070 = tpu.memref_squeeze %dma_wait3A_1069 : memref<1x!tpu.dma_semaphore, #tpu.memory_space<semaphore_mem>> -> memref<!tpu.dma_semaphore, #tpu.memory_space<semaphore_mem>>
      %dma_wait3A_1071 = arith.constant 0 : i32
      %dma_wait3A_1072 = tpu.memref_slice %arg4[%add3A_1060, %dma_wait3A_1071] : memref<819200x64xf32, #tpu.memory_space<hbm>> -> memref<128x64xf32, #tpu.memory_space<hbm>>
      %dma_wait3A_1073 = arith.constant 0 : i32
      %dma_wait3A_1074 = arith.constant 0 : i32
      %dma_wait3A_1075 = tpu.memref_slice %arg6[%dma_wait3A_1061, %dma_wait3A_1073, %dma_wait3A_1074] : memref<8x128x64xf32, #tpu.memory_space<vmem>> -> memref<1x128x64xf32, #tpu.memory_space<vmem>>
      %dma_wait3A_1076 = tpu.memref_squeeze %dma_wait3A_1075 : memref<1x128x64xf32, #tpu.memory_space<vmem>> -> memref<128x64xf32, #tpu.memory_space<vmem>>
      tpu.wait_dma2 semaphore(%dma_wait3A_1070 : memref<!tpu.dma_semaphore, #tpu.memory_space<semaphore_mem>>) src(%dma_wait3A_1076 : memref<128x64xf32, #tpu.memory_space<vmem>>) dst(%dma_wait3A_1072 : memref<128x64xf32, #tpu.memory_space<hbm>>)
      %add3A_1077 = arith.constant 6 : i32
      %add3A_1078 = arith.addi %add3A_833, %add3A_1077 : i32
      %dma_start3A_1079 = arith.constant 6 : i32
      %dma_start3A_1080 = arith.constant 6 : i32
      %dma_start3A_1081 = arith.constant 0 : i32
      %dma_start3A_1082 = arith.constant 0 : i32
      %dma_start3A_1083 = tpu.memref_slice %arg6[%dma_start3A_1079, %dma_start3A_1081, %dma_start3A_1082] : memref<8x128x64xf32, #tpu.memory_space<vmem>> -> memref<1x128x64xf32, #tpu.memory_space<vmem>>
      %dma_start3A_1084 = tpu.memref_squeeze %dma_start3A_1083 : memref<1x128x64xf32, #tpu.memory_space<vmem>> -> memref<128x64xf32, #tpu.memory_space<vmem>>
      %dma_start3A_1085 = arith.constant 0 : i32
      %dma_start3A_1086 = tpu.memref_slice %arg5[%add3A_1078, %dma_start3A_1085] : memref<200x128xi32, #tpu.memory_space<vmem>> -> memref<1x128xi32, #tpu.memory_space<vmem>>
      %dma_start3A_1087 = tpu.memref_squeeze %dma_start3A_1086 : memref<1x128xi32, #tpu.memory_space<vmem>> -> memref<128xi32, #tpu.memory_space<vmem>>
      %dma_start3A_1088 = arith.constant 0 : i32
      %dma_start3A_1089 = arith.constant 0 : i32
      %dma_start3A_1090 = tpu.memref_slice %arg3[%dma_start3A_1088, %dma_start3A_1089] : memref<1000000x64xf32, #tpu.memory_space<hbm>> -> memref<1000000x64xf32, #tpu.memory_space<hbm>>
      %dma_start3A_1091 = tpu.memref_slice %arg7[%dma_start3A_1080] : memref<8x!tpu.dma_semaphore, #tpu.memory_space<semaphore_mem>> -> memref<1x!tpu.dma_semaphore, #tpu.memory_space<semaphore_mem>>
      %dma_start3A_1092 = tpu.memref_squeeze %dma_start3A_1091 : memref<1x!tpu.dma_semaphore, #tpu.memory_space<semaphore_mem>> -> memref<!tpu.dma_semaphore, #tpu.memory_space<semaphore_mem>>
      tpu.enqueue_indirect_dma source(%dma_start3A_1090 : memref<1000000x64xf32, #tpu.memory_space<hbm>>) target(%dma_start3A_1084 : memref<128x64xf32, #tpu.memory_space<vmem>>) offsets(%dma_start3A_1087 : memref<128xi32, #tpu.memory_space<vmem>>) semaphore(%dma_start3A_1092 : memref<!tpu.dma_semaphore, #tpu.memory_space<semaphore_mem>>)
      %add3A_1093 = arith.constant 7 : i32
      %add3A_1094 = arith.addi %mul3A_535, %add3A_1093 : i32
      %mul3A_1095 = arith.constant 128 : i32
      %mul3A_1096 = arith.muli %add3A_1094, %mul3A_1095 : i32
      %add3A_1097 = arith.addi %mul3A_2, %mul3A_1096 : i32
      %dma_wait3A_1098 = arith.constant 7 : i32
      %dma_wait3A_1099 = arith.constant 7 : i32
      %dma_wait3A_1100 = arith.constant 0 : i32
      %dma_wait3A_1101 = arith.constant 0 : i32
      %dma_wait3A_1102 = tpu.memref_slice %arg6[%dma_wait3A_1098, %dma_wait3A_1100, %dma_wait3A_1101] : memref<8x128x64xf32, #tpu.memory_space<vmem>> -> memref<1x128x64xf32, #tpu.memory_space<vmem>>
      %dma_wait3A_1103 = tpu.memref_squeeze %dma_wait3A_1102 : memref<1x128x64xf32, #tpu.memory_space<vmem>> -> memref<128x64xf32, #tpu.memory_space<vmem>>
      %dma_wait3A_1104 = arith.constant 0 : i32
      %dma_wait3A_1105 = tpu.memref_slice %arg4[%add3A_1097, %dma_wait3A_1104] : memref<819200x64xf32, #tpu.memory_space<hbm>> -> memref<128x64xf32, #tpu.memory_space<hbm>>
      %dma_wait3A_1106 = tpu.memref_slice %arg8[%dma_wait3A_1099] : memref<8x!tpu.dma_semaphore, #tpu.memory_space<semaphore_mem>> -> memref<1x!tpu.dma_semaphore, #tpu.memory_space<semaphore_mem>>
      %dma_wait3A_1107 = tpu.memref_squeeze %dma_wait3A_1106 : memref<1x!tpu.dma_semaphore, #tpu.memory_space<semaphore_mem>> -> memref<!tpu.dma_semaphore, #tpu.memory_space<semaphore_mem>>
      %dma_wait3A_1108 = arith.constant 0 : i32
      %dma_wait3A_1109 = tpu.memref_slice %arg4[%add3A_1097, %dma_wait3A_1108] : memref<819200x64xf32, #tpu.memory_space<hbm>> -> memref<128x64xf32, #tpu.memory_space<hbm>>
      %dma_wait3A_1110 = arith.constant 0 : i32
      %dma_wait3A_1111 = arith.constant 0 : i32
      %dma_wait3A_1112 = tpu.memref_slice %arg6[%dma_wait3A_1098, %dma_wait3A_1110, %dma_wait3A_1111] : memref<8x128x64xf32, #tpu.memory_space<vmem>> -> memref<1x128x64xf32, #tpu.memory_space<vmem>>
      %dma_wait3A_1113 = tpu.memref_squeeze %dma_wait3A_1112 : memref<1x128x64xf32, #tpu.memory_space<vmem>> -> memref<128x64xf32, #tpu.memory_space<vmem>>
      tpu.wait_dma2 semaphore(%dma_wait3A_1107 : memref<!tpu.dma_semaphore, #tpu.memory_space<semaphore_mem>>) src(%dma_wait3A_1113 : memref<128x64xf32, #tpu.memory_space<vmem>>) dst(%dma_wait3A_1109 : memref<128x64xf32, #tpu.memory_space<hbm>>)
      %add3A_1114 = arith.constant 7 : i32
      %add3A_1115 = arith.addi %add3A_833, %add3A_1114 : i32
      %dma_start3A_1116 = arith.constant 7 : i32
      %dma_start3A_1117 = arith.constant 7 : i32
      %dma_start3A_1118 = arith.constant 0 : i32
      %dma_start3A_1119 = arith.constant 0 : i32
      %dma_start3A_1120 = tpu.memref_slice %arg6[%dma_start3A_1116, %dma_start3A_1118, %dma_start3A_1119] : memref<8x128x64xf32, #tpu.memory_space<vmem>> -> memref<1x128x64xf32, #tpu.memory_space<vmem>>
      %dma_start3A_1121 = tpu.memref_squeeze %dma_start3A_1120 : memref<1x128x64xf32, #tpu.memory_space<vmem>> -> memref<128x64xf32, #tpu.memory_space<vmem>>
      %dma_start3A_1122 = arith.constant 0 : i32
      %dma_start3A_1123 = tpu.memref_slice %arg5[%add3A_1115, %dma_start3A_1122] : memref<200x128xi32, #tpu.memory_space<vmem>> -> memref<1x128xi32, #tpu.memory_space<vmem>>
      %dma_start3A_1124 = tpu.memref_squeeze %dma_start3A_1123 : memref<1x128xi32, #tpu.memory_space<vmem>> -> memref<128xi32, #tpu.memory_space<vmem>>
      %dma_start3A_1125 = arith.constant 0 : i32
      %dma_start3A_1126 = arith.constant 0 : i32
      %dma_start3A_1127 = tpu.memref_slice %arg3[%dma_start3A_1125, %dma_start3A_1126] : memref<1000000x64xf32, #tpu.memory_space<hbm>> -> memref<1000000x64xf32, #tpu.memory_space<hbm>>
      %dma_start3A_1128 = tpu.memref_slice %arg7[%dma_start3A_1117] : memref<8x!tpu.dma_semaphore, #tpu.memory_space<semaphore_mem>> -> memref<1x!tpu.dma_semaphore, #tpu.memory_space<semaphore_mem>>
      %dma_start3A_1129 = tpu.memref_squeeze %dma_start3A_1128 : memref<1x!tpu.dma_semaphore, #tpu.memory_space<semaphore_mem>> -> memref<!tpu.dma_semaphore, #tpu.memory_space<semaphore_mem>>
      tpu.enqueue_indirect_dma source(%dma_start3A_1127 : memref<1000000x64xf32, #tpu.memory_space<hbm>>) target(%dma_start3A_1121 : memref<128x64xf32, #tpu.memory_space<vmem>>) offsets(%dma_start3A_1124 : memref<128xi32, #tpu.memory_space<vmem>>) semaphore(%dma_start3A_1129 : memref<!tpu.dma_semaphore, #tpu.memory_space<semaphore_mem>>)
    }
    %scan3A_125 = arith.constant 24 : i32
    %dma_wait3A = arith.constant 192 : i32
    %dma_wait3A_126 = arith.constant 0 : i32
    %dma_wait3A_127 = arith.constant 0 : i32
    %dma_wait3A_128 = arith.constant 0 : i32
    %dma_wait3A_129 = arith.constant 0 : i32
    %dma_wait3A_130 = tpu.memref_slice %arg6[%dma_wait3A_126, %dma_wait3A_128, %dma_wait3A_129] : memref<8x128x64xf32, #tpu.memory_space<vmem>> -> memref<1x128x64xf32, #tpu.memory_space<vmem>>
    %dma_wait3A_131 = tpu.memref_squeeze %dma_wait3A_130 : memref<1x128x64xf32, #tpu.memory_space<vmem>> -> memref<128x64xf32, #tpu.memory_space<vmem>>
    %dma_wait3A_132 = arith.constant 0 : i32
    %dma_wait3A_133 = tpu.memref_slice %arg5[%dma_wait3A, %dma_wait3A_132] : memref<200x128xi32, #tpu.memory_space<vmem>> -> memref<1x128xi32, #tpu.memory_space<vmem>>
    %dma_wait3A_134 = tpu.memref_squeeze %dma_wait3A_133 : memref<1x128xi32, #tpu.memory_space<vmem>> -> memref<128xi32, #tpu.memory_space<vmem>>
    %dma_wait3A_135 = arith.constant 0 : i32
    %dma_wait3A_136 = arith.constant 0 : i32
    %dma_wait3A_137 = tpu.memref_slice %arg3[%dma_wait3A_135, %dma_wait3A_136] : memref<1000000x64xf32, #tpu.memory_space<hbm>> -> memref<1000000x64xf32, #tpu.memory_space<hbm>>
    %dma_wait3A_138 = tpu.memref_slice %arg7[%dma_wait3A_127] : memref<8x!tpu.dma_semaphore, #tpu.memory_space<semaphore_mem>> -> memref<1x!tpu.dma_semaphore, #tpu.memory_space<semaphore_mem>>
    %dma_wait3A_139 = tpu.memref_squeeze %dma_wait3A_138 : memref<1x!tpu.dma_semaphore, #tpu.memory_space<semaphore_mem>> -> memref<!tpu.dma_semaphore, #tpu.memory_space<semaphore_mem>>
    tpu.wait_indirect_dma semaphore(%dma_wait3A_139 : memref<!tpu.dma_semaphore, #tpu.memory_space<semaphore_mem>>) src(%dma_wait3A_137 : memref<1000000x64xf32, #tpu.memory_space<hbm>>) dst(%dma_wait3A_131 : memref<128x64xf32, #tpu.memory_space<vmem>>)
    %add3A_140 = arith.constant 24576 : i32
    %add3A_141 = arith.addi %mul3A_2, %add3A_140 : i32
    %dma_start3A_142 = arith.constant 0 : i32
    %dma_start3A_143 = arith.constant 0 : i32
    %dma_start3A_144 = arith.constant 0 : i32
    %dma_start3A_145 = arith.constant 0 : i32
    %dma_start3A_146 = tpu.memref_slice %arg6[%dma_start3A_142, %dma_start3A_144, %dma_start3A_145] : memref<8x128x64xf32, #tpu.memory_space<vmem>> -> memref<1x128x64xf32, #tpu.memory_space<vmem>>
    %dma_start3A_147 = tpu.memref_squeeze %dma_start3A_146 : memref<1x128x64xf32, #tpu.memory_space<vmem>> -> memref<128x64xf32, #tpu.memory_space<vmem>>
    %dma_start3A_148 = arith.constant 0 : i32
    %dma_start3A_149 = tpu.memref_slice %arg4[%add3A_141, %dma_start3A_148] : memref<819200x64xf32, #tpu.memory_space<hbm>> -> memref<128x64xf32, #tpu.memory_space<hbm>>
    %dma_start3A_150 = tpu.memref_slice %arg8[%dma_start3A_143] : memref<8x!tpu.dma_semaphore, #tpu.memory_space<semaphore_mem>> -> memref<1x!tpu.dma_semaphore, #tpu.memory_space<semaphore_mem>>
    %dma_start3A_151 = tpu.memref_squeeze %dma_start3A_150 : memref<1x!tpu.dma_semaphore, #tpu.memory_space<semaphore_mem>> -> memref<!tpu.dma_semaphore, #tpu.memory_space<semaphore_mem>>
    %dma_start3A_152 = arith.constant 0 : i32
    %dma_start3A_153 = tpu.memref_slice %arg4[%add3A_141, %dma_start3A_152] : memref<819200x64xf32, #tpu.memory_space<hbm>> -> memref<128x64xf32, #tpu.memory_space<hbm>>
    %dma_start3A_154 = arith.constant 0 : i32
    %dma_start3A_155 = arith.constant 0 : i32
    %dma_start3A_156 = tpu.memref_slice %arg6[%dma_start3A_142, %dma_start3A_154, %dma_start3A_155] : memref<8x128x64xf32, #tpu.memory_space<vmem>> -> memref<1x128x64xf32, #tpu.memory_space<vmem>>
    %dma_start3A_157 = tpu.memref_squeeze %dma_start3A_156 : memref<1x128x64xf32, #tpu.memory_space<vmem>> -> memref<128x64xf32, #tpu.memory_space<vmem>>
    tpu.enqueue_dma source(%dma_start3A_157 : memref<128x64xf32, #tpu.memory_space<vmem>>) target(%dma_start3A_153 : memref<128x64xf32, #tpu.memory_space<hbm>>) target_semaphore(%dma_start3A_151 : memref<!tpu.dma_semaphore, #tpu.memory_space<semaphore_mem>>)
    %dma_wait3A_158 = arith.constant 193 : i32
    %dma_wait3A_159 = arith.constant 1 : i32
    %dma_wait3A_160 = arith.constant 1 : i32
    %dma_wait3A_161 = arith.constant 0 : i32
    %dma_wait3A_162 = arith.constant 0 : i32
    %dma_wait3A_163 = tpu.memref_slice %arg6[%dma_wait3A_159, %dma_wait3A_161, %dma_wait3A_162] : memref<8x128x64xf32, #tpu.memory_space<vmem>> -> memref<1x128x64xf32, #tpu.memory_space<vmem>>
    %dma_wait3A_164 = tpu.memref_squeeze %dma_wait3A_163 : memref<1x128x64xf32, #tpu.memory_space<vmem>> -> memref<128x64xf32, #tpu.memory_space<vmem>>
    %dma_wait3A_165 = arith.constant 0 : i32
    %dma_wait3A_166 = tpu.memref_slice %arg5[%dma_wait3A_158, %dma_wait3A_165] : memref<200x128xi32, #tpu.memory_space<vmem>> -> memref<1x128xi32, #tpu.memory_space<vmem>>
    %dma_wait3A_167 = tpu.memref_squeeze %dma_wait3A_166 : memref<1x128xi32, #tpu.memory_space<vmem>> -> memref<128xi32, #tpu.memory_space<vmem>>
    %dma_wait3A_168 = arith.constant 0 : i32
    %dma_wait3A_169 = arith.constant 0 : i32
    %dma_wait3A_170 = tpu.memref_slice %arg3[%dma_wait3A_168, %dma_wait3A_169] : memref<1000000x64xf32, #tpu.memory_space<hbm>> -> memref<1000000x64xf32, #tpu.memory_space<hbm>>
    %dma_wait3A_171 = tpu.memref_slice %arg7[%dma_wait3A_160] : memref<8x!tpu.dma_semaphore, #tpu.memory_space<semaphore_mem>> -> memref<1x!tpu.dma_semaphore, #tpu.memory_space<semaphore_mem>>
    %dma_wait3A_172 = tpu.memref_squeeze %dma_wait3A_171 : memref<1x!tpu.dma_semaphore, #tpu.memory_space<semaphore_mem>> -> memref<!tpu.dma_semaphore, #tpu.memory_space<semaphore_mem>>
    tpu.wait_indirect_dma semaphore(%dma_wait3A_172 : memref<!tpu.dma_semaphore, #tpu.memory_space<semaphore_mem>>) src(%dma_wait3A_170 : memref<1000000x64xf32, #tpu.memory_space<hbm>>) dst(%dma_wait3A_164 : memref<128x64xf32, #tpu.memory_space<vmem>>)
    %add3A_173 = arith.constant 24704 : i32
    %add3A_174 = arith.addi %mul3A_2, %add3A_173 : i32
    %dma_start3A_175 = arith.constant 1 : i32
    %dma_start3A_176 = arith.constant 1 : i32
    %dma_start3A_177 = arith.constant 0 : i32
    %dma_start3A_178 = arith.constant 0 : i32
    %dma_start3A_179 = tpu.memref_slice %arg6[%dma_start3A_175, %dma_start3A_177, %dma_start3A_178] : memref<8x128x64xf32, #tpu.memory_space<vmem>> -> memref<1x128x64xf32, #tpu.memory_space<vmem>>
    %dma_start3A_180 = tpu.memref_squeeze %dma_start3A_179 : memref<1x128x64xf32, #tpu.memory_space<vmem>> -> memref<128x64xf32, #tpu.memory_space<vmem>>
    %dma_start3A_181 = arith.constant 0 : i32
    %dma_start3A_182 = tpu.memref_slice %arg4[%add3A_174, %dma_start3A_181] : memref<819200x64xf32, #tpu.memory_space<hbm>> -> memref<128x64xf32, #tpu.memory_space<hbm>>
    %dma_start3A_183 = tpu.memref_slice %arg8[%dma_start3A_176] : memref<8x!tpu.dma_semaphore, #tpu.memory_space<semaphore_mem>> -> memref<1x!tpu.dma_semaphore, #tpu.memory_space<semaphore_mem>>
    %dma_start3A_184 = tpu.memref_squeeze %dma_start3A_183 : memref<1x!tpu.dma_semaphore, #tpu.memory_space<semaphore_mem>> -> memref<!tpu.dma_semaphore, #tpu.memory_space<semaphore_mem>>
    %dma_start3A_185 = arith.constant 0 : i32
    %dma_start3A_186 = tpu.memref_slice %arg4[%add3A_174, %dma_start3A_185] : memref<819200x64xf32, #tpu.memory_space<hbm>> -> memref<128x64xf32, #tpu.memory_space<hbm>>
    %dma_start3A_187 = arith.constant 0 : i32
    %dma_start3A_188 = arith.constant 0 : i32
    %dma_start3A_189 = tpu.memref_slice %arg6[%dma_start3A_175, %dma_start3A_187, %dma_start3A_188] : memref<8x128x64xf32, #tpu.memory_space<vmem>> -> memref<1x128x64xf32, #tpu.memory_space<vmem>>
    %dma_start3A_190 = tpu.memref_squeeze %dma_start3A_189 : memref<1x128x64xf32, #tpu.memory_space<vmem>> -> memref<128x64xf32, #tpu.memory_space<vmem>>
    tpu.enqueue_dma source(%dma_start3A_190 : memref<128x64xf32, #tpu.memory_space<vmem>>) target(%dma_start3A_186 : memref<128x64xf32, #tpu.memory_space<hbm>>) target_semaphore(%dma_start3A_184 : memref<!tpu.dma_semaphore, #tpu.memory_space<semaphore_mem>>)
    %dma_wait3A_191 = arith.constant 194 : i32
    %dma_wait3A_192 = arith.constant 2 : i32
    %dma_wait3A_193 = arith.constant 2 : i32
    %dma_wait3A_194 = arith.constant 0 : i32
    %dma_wait3A_195 = arith.constant 0 : i32
    %dma_wait3A_196 = tpu.memref_slice %arg6[%dma_wait3A_192, %dma_wait3A_194, %dma_wait3A_195] : memref<8x128x64xf32, #tpu.memory_space<vmem>> -> memref<1x128x64xf32, #tpu.memory_space<vmem>>
    %dma_wait3A_197 = tpu.memref_squeeze %dma_wait3A_196 : memref<1x128x64xf32, #tpu.memory_space<vmem>> -> memref<128x64xf32, #tpu.memory_space<vmem>>
    %dma_wait3A_198 = arith.constant 0 : i32
    %dma_wait3A_199 = tpu.memref_slice %arg5[%dma_wait3A_191, %dma_wait3A_198] : memref<200x128xi32, #tpu.memory_space<vmem>> -> memref<1x128xi32, #tpu.memory_space<vmem>>
    %dma_wait3A_200 = tpu.memref_squeeze %dma_wait3A_199 : memref<1x128xi32, #tpu.memory_space<vmem>> -> memref<128xi32, #tpu.memory_space<vmem>>
    %dma_wait3A_201 = arith.constant 0 : i32
    %dma_wait3A_202 = arith.constant 0 : i32
    %dma_wait3A_203 = tpu.memref_slice %arg3[%dma_wait3A_201, %dma_wait3A_202] : memref<1000000x64xf32, #tpu.memory_space<hbm>> -> memref<1000000x64xf32, #tpu.memory_space<hbm>>
    %dma_wait3A_204 = tpu.memref_slice %arg7[%dma_wait3A_193] : memref<8x!tpu.dma_semaphore, #tpu.memory_space<semaphore_mem>> -> memref<1x!tpu.dma_semaphore, #tpu.memory_space<semaphore_mem>>
    %dma_wait3A_205 = tpu.memref_squeeze %dma_wait3A_204 : memref<1x!tpu.dma_semaphore, #tpu.memory_space<semaphore_mem>> -> memref<!tpu.dma_semaphore, #tpu.memory_space<semaphore_mem>>
    tpu.wait_indirect_dma semaphore(%dma_wait3A_205 : memref<!tpu.dma_semaphore, #tpu.memory_space<semaphore_mem>>) src(%dma_wait3A_203 : memref<1000000x64xf32, #tpu.memory_space<hbm>>) dst(%dma_wait3A_197 : memref<128x64xf32, #tpu.memory_space<vmem>>)
    %add3A_206 = arith.constant 24832 : i32
    %add3A_207 = arith.addi %mul3A_2, %add3A_206 : i32
    %dma_start3A_208 = arith.constant 2 : i32
    %dma_start3A_209 = arith.constant 2 : i32
    %dma_start3A_210 = arith.constant 0 : i32
    %dma_start3A_211 = arith.constant 0 : i32
    %dma_start3A_212 = tpu.memref_slice %arg6[%dma_start3A_208, %dma_start3A_210, %dma_start3A_211] : memref<8x128x64xf32, #tpu.memory_space<vmem>> -> memref<1x128x64xf32, #tpu.memory_space<vmem>>
    %dma_start3A_213 = tpu.memref_squeeze %dma_start3A_212 : memref<1x128x64xf32, #tpu.memory_space<vmem>> -> memref<128x64xf32, #tpu.memory_space<vmem>>
    %dma_start3A_214 = arith.constant 0 : i32
    %dma_start3A_215 = tpu.memref_slice %arg4[%add3A_207, %dma_start3A_214] : memref<819200x64xf32, #tpu.memory_space<hbm>> -> memref<128x64xf32, #tpu.memory_space<hbm>>
    %dma_start3A_216 = tpu.memref_slice %arg8[%dma_start3A_209] : memref<8x!tpu.dma_semaphore, #tpu.memory_space<semaphore_mem>> -> memref<1x!tpu.dma_semaphore, #tpu.memory_space<semaphore_mem>>
    %dma_start3A_217 = tpu.memref_squeeze %dma_start3A_216 : memref<1x!tpu.dma_semaphore, #tpu.memory_space<semaphore_mem>> -> memref<!tpu.dma_semaphore, #tpu.memory_space<semaphore_mem>>
    %dma_start3A_218 = arith.constant 0 : i32
    %dma_start3A_219 = tpu.memref_slice %arg4[%add3A_207, %dma_start3A_218] : memref<819200x64xf32, #tpu.memory_space<hbm>> -> memref<128x64xf32, #tpu.memory_space<hbm>>
    %dma_start3A_220 = arith.constant 0 : i32
    %dma_start3A_221 = arith.constant 0 : i32
    %dma_start3A_222 = tpu.memref_slice %arg6[%dma_start3A_208, %dma_start3A_220, %dma_start3A_221] : memref<8x128x64xf32, #tpu.memory_space<vmem>> -> memref<1x128x64xf32, #tpu.memory_space<vmem>>
    %dma_start3A_223 = tpu.memref_squeeze %dma_start3A_222 : memref<1x128x64xf32, #tpu.memory_space<vmem>> -> memref<128x64xf32, #tpu.memory_space<vmem>>
    tpu.enqueue_dma source(%dma_start3A_223 : memref<128x64xf32, #tpu.memory_space<vmem>>) target(%dma_start3A_219 : memref<128x64xf32, #tpu.memory_space<hbm>>) target_semaphore(%dma_start3A_217 : memref<!tpu.dma_semaphore, #tpu.memory_space<semaphore_mem>>)
    %dma_wait3A_224 = arith.constant 195 : i32
    %dma_wait3A_225 = arith.constant 3 : i32
    %dma_wait3A_226 = arith.constant 3 : i32
    %dma_wait3A_227 = arith.constant 0 : i32
    %dma_wait3A_228 = arith.constant 0 : i32
    %dma_wait3A_229 = tpu.memref_slice %arg6[%dma_wait3A_225, %dma_wait3A_227, %dma_wait3A_228] : memref<8x128x64xf32, #tpu.memory_space<vmem>> -> memref<1x128x64xf32, #tpu.memory_space<vmem>>
    %dma_wait3A_230 = tpu.memref_squeeze %dma_wait3A_229 : memref<1x128x64xf32, #tpu.memory_space<vmem>> -> memref<128x64xf32, #tpu.memory_space<vmem>>
    %dma_wait3A_231 = arith.constant 0 : i32
    %dma_wait3A_232 = tpu.memref_slice %arg5[%dma_wait3A_224, %dma_wait3A_231] : memref<200x128xi32, #tpu.memory_space<vmem>> -> memref<1x128xi32, #tpu.memory_space<vmem>>
    %dma_wait3A_233 = tpu.memref_squeeze %dma_wait3A_232 : memref<1x128xi32, #tpu.memory_space<vmem>> -> memref<128xi32, #tpu.memory_space<vmem>>
    %dma_wait3A_234 = arith.constant 0 : i32
    %dma_wait3A_235 = arith.constant 0 : i32
    %dma_wait3A_236 = tpu.memref_slice %arg3[%dma_wait3A_234, %dma_wait3A_235] : memref<1000000x64xf32, #tpu.memory_space<hbm>> -> memref<1000000x64xf32, #tpu.memory_space<hbm>>
    %dma_wait3A_237 = tpu.memref_slice %arg7[%dma_wait3A_226] : memref<8x!tpu.dma_semaphore, #tpu.memory_space<semaphore_mem>> -> memref<1x!tpu.dma_semaphore, #tpu.memory_space<semaphore_mem>>
    %dma_wait3A_238 = tpu.memref_squeeze %dma_wait3A_237 : memref<1x!tpu.dma_semaphore, #tpu.memory_space<semaphore_mem>> -> memref<!tpu.dma_semaphore, #tpu.memory_space<semaphore_mem>>
    tpu.wait_indirect_dma semaphore(%dma_wait3A_238 : memref<!tpu.dma_semaphore, #tpu.memory_space<semaphore_mem>>) src(%dma_wait3A_236 : memref<1000000x64xf32, #tpu.memory_space<hbm>>) dst(%dma_wait3A_230 : memref<128x64xf32, #tpu.memory_space<vmem>>)
    %add3A_239 = arith.constant 24960 : i32
    %add3A_240 = arith.addi %mul3A_2, %add3A_239 : i32
    %dma_start3A_241 = arith.constant 3 : i32
    %dma_start3A_242 = arith.constant 3 : i32
    %dma_start3A_243 = arith.constant 0 : i32
    %dma_start3A_244 = arith.constant 0 : i32
    %dma_start3A_245 = tpu.memref_slice %arg6[%dma_start3A_241, %dma_start3A_243, %dma_start3A_244] : memref<8x128x64xf32, #tpu.memory_space<vmem>> -> memref<1x128x64xf32, #tpu.memory_space<vmem>>
    %dma_start3A_246 = tpu.memref_squeeze %dma_start3A_245 : memref<1x128x64xf32, #tpu.memory_space<vmem>> -> memref<128x64xf32, #tpu.memory_space<vmem>>
    %dma_start3A_247 = arith.constant 0 : i32
    %dma_start3A_248 = tpu.memref_slice %arg4[%add3A_240, %dma_start3A_247] : memref<819200x64xf32, #tpu.memory_space<hbm>> -> memref<128x64xf32, #tpu.memory_space<hbm>>
    %dma_start3A_249 = tpu.memref_slice %arg8[%dma_start3A_242] : memref<8x!tpu.dma_semaphore, #tpu.memory_space<semaphore_mem>> -> memref<1x!tpu.dma_semaphore, #tpu.memory_space<semaphore_mem>>
    %dma_start3A_250 = tpu.memref_squeeze %dma_start3A_249 : memref<1x!tpu.dma_semaphore, #tpu.memory_space<semaphore_mem>> -> memref<!tpu.dma_semaphore, #tpu.memory_space<semaphore_mem>>
    %dma_start3A_251 = arith.constant 0 : i32
    %dma_start3A_252 = tpu.memref_slice %arg4[%add3A_240, %dma_start3A_251] : memref<819200x64xf32, #tpu.memory_space<hbm>> -> memref<128x64xf32, #tpu.memory_space<hbm>>
    %dma_start3A_253 = arith.constant 0 : i32
    %dma_start3A_254 = arith.constant 0 : i32
    %dma_start3A_255 = tpu.memref_slice %arg6[%dma_start3A_241, %dma_start3A_253, %dma_start3A_254] : memref<8x128x64xf32, #tpu.memory_space<vmem>> -> memref<1x128x64xf32, #tpu.memory_space<vmem>>
    %dma_start3A_256 = tpu.memref_squeeze %dma_start3A_255 : memref<1x128x64xf32, #tpu.memory_space<vmem>> -> memref<128x64xf32, #tpu.memory_space<vmem>>
    tpu.enqueue_dma source(%dma_start3A_256 : memref<128x64xf32, #tpu.memory_space<vmem>>) target(%dma_start3A_252 : memref<128x64xf32, #tpu.memory_space<hbm>>) target_semaphore(%dma_start3A_250 : memref<!tpu.dma_semaphore, #tpu.memory_space<semaphore_mem>>)
    %dma_wait3A_257 = arith.constant 196 : i32
    %dma_wait3A_258 = arith.constant 4 : i32
    %dma_wait3A_259 = arith.constant 4 : i32
    %dma_wait3A_260 = arith.constant 0 : i32
    %dma_wait3A_261 = arith.constant 0 : i32
    %dma_wait3A_262 = tpu.memref_slice %arg6[%dma_wait3A_258, %dma_wait3A_260, %dma_wait3A_261] : memref<8x128x64xf32, #tpu.memory_space<vmem>> -> memref<1x128x64xf32, #tpu.memory_space<vmem>>
    %dma_wait3A_263 = tpu.memref_squeeze %dma_wait3A_262 : memref<1x128x64xf32, #tpu.memory_space<vmem>> -> memref<128x64xf32, #tpu.memory_space<vmem>>
    %dma_wait3A_264 = arith.constant 0 : i32
    %dma_wait3A_265 = tpu.memref_slice %arg5[%dma_wait3A_257, %dma_wait3A_264] : memref<200x128xi32, #tpu.memory_space<vmem>> -> memref<1x128xi32, #tpu.memory_space<vmem>>
    %dma_wait3A_266 = tpu.memref_squeeze %dma_wait3A_265 : memref<1x128xi32, #tpu.memory_space<vmem>> -> memref<128xi32, #tpu.memory_space<vmem>>
    %dma_wait3A_267 = arith.constant 0 : i32
    %dma_wait3A_268 = arith.constant 0 : i32
    %dma_wait3A_269 = tpu.memref_slice %arg3[%dma_wait3A_267, %dma_wait3A_268] : memref<1000000x64xf32, #tpu.memory_space<hbm>> -> memref<1000000x64xf32, #tpu.memory_space<hbm>>
    %dma_wait3A_270 = tpu.memref_slice %arg7[%dma_wait3A_259] : memref<8x!tpu.dma_semaphore, #tpu.memory_space<semaphore_mem>> -> memref<1x!tpu.dma_semaphore, #tpu.memory_space<semaphore_mem>>
    %dma_wait3A_271 = tpu.memref_squeeze %dma_wait3A_270 : memref<1x!tpu.dma_semaphore, #tpu.memory_space<semaphore_mem>> -> memref<!tpu.dma_semaphore, #tpu.memory_space<semaphore_mem>>
    tpu.wait_indirect_dma semaphore(%dma_wait3A_271 : memref<!tpu.dma_semaphore, #tpu.memory_space<semaphore_mem>>) src(%dma_wait3A_269 : memref<1000000x64xf32, #tpu.memory_space<hbm>>) dst(%dma_wait3A_263 : memref<128x64xf32, #tpu.memory_space<vmem>>)
    %add3A_272 = arith.constant 25088 : i32
    %add3A_273 = arith.addi %mul3A_2, %add3A_272 : i32
    %dma_start3A_274 = arith.constant 4 : i32
    %dma_start3A_275 = arith.constant 4 : i32
    %dma_start3A_276 = arith.constant 0 : i32
    %dma_start3A_277 = arith.constant 0 : i32
    %dma_start3A_278 = tpu.memref_slice %arg6[%dma_start3A_274, %dma_start3A_276, %dma_start3A_277] : memref<8x128x64xf32, #tpu.memory_space<vmem>> -> memref<1x128x64xf32, #tpu.memory_space<vmem>>
    %dma_start3A_279 = tpu.memref_squeeze %dma_start3A_278 : memref<1x128x64xf32, #tpu.memory_space<vmem>> -> memref<128x64xf32, #tpu.memory_space<vmem>>
    %dma_start3A_280 = arith.constant 0 : i32
    %dma_start3A_281 = tpu.memref_slice %arg4[%add3A_273, %dma_start3A_280] : memref<819200x64xf32, #tpu.memory_space<hbm>> -> memref<128x64xf32, #tpu.memory_space<hbm>>
    %dma_start3A_282 = tpu.memref_slice %arg8[%dma_start3A_275] : memref<8x!tpu.dma_semaphore, #tpu.memory_space<semaphore_mem>> -> memref<1x!tpu.dma_semaphore, #tpu.memory_space<semaphore_mem>>
    %dma_start3A_283 = tpu.memref_squeeze %dma_start3A_282 : memref<1x!tpu.dma_semaphore, #tpu.memory_space<semaphore_mem>> -> memref<!tpu.dma_semaphore, #tpu.memory_space<semaphore_mem>>
    %dma_start3A_284 = arith.constant 0 : i32
    %dma_start3A_285 = tpu.memref_slice %arg4[%add3A_273, %dma_start3A_284] : memref<819200x64xf32, #tpu.memory_space<hbm>> -> memref<128x64xf32, #tpu.memory_space<hbm>>
    %dma_start3A_286 = arith.constant 0 : i32
    %dma_start3A_287 = arith.constant 0 : i32
    %dma_start3A_288 = tpu.memref_slice %arg6[%dma_start3A_274, %dma_start3A_286, %dma_start3A_287] : memref<8x128x64xf32, #tpu.memory_space<vmem>> -> memref<1x128x64xf32, #tpu.memory_space<vmem>>
    %dma_start3A_289 = tpu.memref_squeeze %dma_start3A_288 : memref<1x128x64xf32, #tpu.memory_space<vmem>> -> memref<128x64xf32, #tpu.memory_space<vmem>>
    tpu.enqueue_dma source(%dma_start3A_289 : memref<128x64xf32, #tpu.memory_space<vmem>>) target(%dma_start3A_285 : memref<128x64xf32, #tpu.memory_space<hbm>>) target_semaphore(%dma_start3A_283 : memref<!tpu.dma_semaphore, #tpu.memory_space<semaphore_mem>>)
    %dma_wait3A_290 = arith.constant 197 : i32
    %dma_wait3A_291 = arith.constant 5 : i32
    %dma_wait3A_292 = arith.constant 5 : i32
    %dma_wait3A_293 = arith.constant 0 : i32
    %dma_wait3A_294 = arith.constant 0 : i32
    %dma_wait3A_295 = tpu.memref_slice %arg6[%dma_wait3A_291, %dma_wait3A_293, %dma_wait3A_294] : memref<8x128x64xf32, #tpu.memory_space<vmem>> -> memref<1x128x64xf32, #tpu.memory_space<vmem>>
    %dma_wait3A_296 = tpu.memref_squeeze %dma_wait3A_295 : memref<1x128x64xf32, #tpu.memory_space<vmem>> -> memref<128x64xf32, #tpu.memory_space<vmem>>
    %dma_wait3A_297 = arith.constant 0 : i32
    %dma_wait3A_298 = tpu.memref_slice %arg5[%dma_wait3A_290, %dma_wait3A_297] : memref<200x128xi32, #tpu.memory_space<vmem>> -> memref<1x128xi32, #tpu.memory_space<vmem>>
    %dma_wait3A_299 = tpu.memref_squeeze %dma_wait3A_298 : memref<1x128xi32, #tpu.memory_space<vmem>> -> memref<128xi32, #tpu.memory_space<vmem>>
    %dma_wait3A_300 = arith.constant 0 : i32
    %dma_wait3A_301 = arith.constant 0 : i32
    %dma_wait3A_302 = tpu.memref_slice %arg3[%dma_wait3A_300, %dma_wait3A_301] : memref<1000000x64xf32, #tpu.memory_space<hbm>> -> memref<1000000x64xf32, #tpu.memory_space<hbm>>
    %dma_wait3A_303 = tpu.memref_slice %arg7[%dma_wait3A_292] : memref<8x!tpu.dma_semaphore, #tpu.memory_space<semaphore_mem>> -> memref<1x!tpu.dma_semaphore, #tpu.memory_space<semaphore_mem>>
    %dma_wait3A_304 = tpu.memref_squeeze %dma_wait3A_303 : memref<1x!tpu.dma_semaphore, #tpu.memory_space<semaphore_mem>> -> memref<!tpu.dma_semaphore, #tpu.memory_space<semaphore_mem>>
    tpu.wait_indirect_dma semaphore(%dma_wait3A_304 : memref<!tpu.dma_semaphore, #tpu.memory_space<semaphore_mem>>) src(%dma_wait3A_302 : memref<1000000x64xf32, #tpu.memory_space<hbm>>) dst(%dma_wait3A_296 : memref<128x64xf32, #tpu.memory_space<vmem>>)
    %add3A_305 = arith.constant 25216 : i32
    %add3A_306 = arith.addi %mul3A_2, %add3A_305 : i32
    %dma_start3A_307 = arith.constant 5 : i32
    %dma_start3A_308 = arith.constant 5 : i32
    %dma_start3A_309 = arith.constant 0 : i32
    %dma_start3A_310 = arith.constant 0 : i32
    %dma_start3A_311 = tpu.memref_slice %arg6[%dma_start3A_307, %dma_start3A_309, %dma_start3A_310] : memref<8x128x64xf32, #tpu.memory_space<vmem>> -> memref<1x128x64xf32, #tpu.memory_space<vmem>>
    %dma_start3A_312 = tpu.memref_squeeze %dma_start3A_311 : memref<1x128x64xf32, #tpu.memory_space<vmem>> -> memref<128x64xf32, #tpu.memory_space<vmem>>
    %dma_start3A_313 = arith.constant 0 : i32
    %dma_start3A_314 = tpu.memref_slice %arg4[%add3A_306, %dma_start3A_313] : memref<819200x64xf32, #tpu.memory_space<hbm>> -> memref<128x64xf32, #tpu.memory_space<hbm>>
    %dma_start3A_315 = tpu.memref_slice %arg8[%dma_start3A_308] : memref<8x!tpu.dma_semaphore, #tpu.memory_space<semaphore_mem>> -> memref<1x!tpu.dma_semaphore, #tpu.memory_space<semaphore_mem>>
    %dma_start3A_316 = tpu.memref_squeeze %dma_start3A_315 : memref<1x!tpu.dma_semaphore, #tpu.memory_space<semaphore_mem>> -> memref<!tpu.dma_semaphore, #tpu.memory_space<semaphore_mem>>
    %dma_start3A_317 = arith.constant 0 : i32
    %dma_start3A_318 = tpu.memref_slice %arg4[%add3A_306, %dma_start3A_317] : memref<819200x64xf32, #tpu.memory_space<hbm>> -> memref<128x64xf32, #tpu.memory_space<hbm>>
    %dma_start3A_319 = arith.constant 0 : i32
    %dma_start3A_320 = arith.constant 0 : i32
    %dma_start3A_321 = tpu.memref_slice %arg6[%dma_start3A_307, %dma_start3A_319, %dma_start3A_320] : memref<8x128x64xf32, #tpu.memory_space<vmem>> -> memref<1x128x64xf32, #tpu.memory_space<vmem>>
    %dma_start3A_322 = tpu.memref_squeeze %dma_start3A_321 : memref<1x128x64xf32, #tpu.memory_space<vmem>> -> memref<128x64xf32, #tpu.memory_space<vmem>>
    tpu.enqueue_dma source(%dma_start3A_322 : memref<128x64xf32, #tpu.memory_space<vmem>>) target(%dma_start3A_318 : memref<128x64xf32, #tpu.memory_space<hbm>>) target_semaphore(%dma_start3A_316 : memref<!tpu.dma_semaphore, #tpu.memory_space<semaphore_mem>>)
    %dma_wait3A_323 = arith.constant 198 : i32
    %dma_wait3A_324 = arith.constant 6 : i32
    %dma_wait3A_325 = arith.constant 6 : i32
    %dma_wait3A_326 = arith.constant 0 : i32
    %dma_wait3A_327 = arith.constant 0 : i32
    %dma_wait3A_328 = tpu.memref_slice %arg6[%dma_wait3A_324, %dma_wait3A_326, %dma_wait3A_327] : memref<8x128x64xf32, #tpu.memory_space<vmem>> -> memref<1x128x64xf32, #tpu.memory_space<vmem>>
    %dma_wait3A_329 = tpu.memref_squeeze %dma_wait3A_328 : memref<1x128x64xf32, #tpu.memory_space<vmem>> -> memref<128x64xf32, #tpu.memory_space<vmem>>
    %dma_wait3A_330 = arith.constant 0 : i32
    %dma_wait3A_331 = tpu.memref_slice %arg5[%dma_wait3A_323, %dma_wait3A_330] : memref<200x128xi32, #tpu.memory_space<vmem>> -> memref<1x128xi32, #tpu.memory_space<vmem>>
    %dma_wait3A_332 = tpu.memref_squeeze %dma_wait3A_331 : memref<1x128xi32, #tpu.memory_space<vmem>> -> memref<128xi32, #tpu.memory_space<vmem>>
    %dma_wait3A_333 = arith.constant 0 : i32
    %dma_wait3A_334 = arith.constant 0 : i32
    %dma_wait3A_335 = tpu.memref_slice %arg3[%dma_wait3A_333, %dma_wait3A_334] : memref<1000000x64xf32, #tpu.memory_space<hbm>> -> memref<1000000x64xf32, #tpu.memory_space<hbm>>
    %dma_wait3A_336 = tpu.memref_slice %arg7[%dma_wait3A_325] : memref<8x!tpu.dma_semaphore, #tpu.memory_space<semaphore_mem>> -> memref<1x!tpu.dma_semaphore, #tpu.memory_space<semaphore_mem>>
    %dma_wait3A_337 = tpu.memref_squeeze %dma_wait3A_336 : memref<1x!tpu.dma_semaphore, #tpu.memory_space<semaphore_mem>> -> memref<!tpu.dma_semaphore, #tpu.memory_space<semaphore_mem>>
    tpu.wait_indirect_dma semaphore(%dma_wait3A_337 : memref<!tpu.dma_semaphore, #tpu.memory_space<semaphore_mem>>) src(%dma_wait3A_335 : memref<1000000x64xf32, #tpu.memory_space<hbm>>) dst(%dma_wait3A_329 : memref<128x64xf32, #tpu.memory_space<vmem>>)
    %add3A_338 = arith.constant 25344 : i32
    %add3A_339 = arith.addi %mul3A_2, %add3A_338 : i32
    %dma_start3A_340 = arith.constant 6 : i32
    %dma_start3A_341 = arith.constant 6 : i32
    %dma_start3A_342 = arith.constant 0 : i32
    %dma_start3A_343 = arith.constant 0 : i32
    %dma_start3A_344 = tpu.memref_slice %arg6[%dma_start3A_340, %dma_start3A_342, %dma_start3A_343] : memref<8x128x64xf32, #tpu.memory_space<vmem>> -> memref<1x128x64xf32, #tpu.memory_space<vmem>>
    %dma_start3A_345 = tpu.memref_squeeze %dma_start3A_344 : memref<1x128x64xf32, #tpu.memory_space<vmem>> -> memref<128x64xf32, #tpu.memory_space<vmem>>
    %dma_start3A_346 = arith.constant 0 : i32
    %dma_start3A_347 = tpu.memref_slice %arg4[%add3A_339, %dma_start3A_346] : memref<819200x64xf32, #tpu.memory_space<hbm>> -> memref<128x64xf32, #tpu.memory_space<hbm>>
    %dma_start3A_348 = tpu.memref_slice %arg8[%dma_start3A_341] : memref<8x!tpu.dma_semaphore, #tpu.memory_space<semaphore_mem>> -> memref<1x!tpu.dma_semaphore, #tpu.memory_space<semaphore_mem>>
    %dma_start3A_349 = tpu.memref_squeeze %dma_start3A_348 : memref<1x!tpu.dma_semaphore, #tpu.memory_space<semaphore_mem>> -> memref<!tpu.dma_semaphore, #tpu.memory_space<semaphore_mem>>
    %dma_start3A_350 = arith.constant 0 : i32
    %dma_start3A_351 = tpu.memref_slice %arg4[%add3A_339, %dma_start3A_350] : memref<819200x64xf32, #tpu.memory_space<hbm>> -> memref<128x64xf32, #tpu.memory_space<hbm>>
    %dma_start3A_352 = arith.constant 0 : i32
    %dma_start3A_353 = arith.constant 0 : i32
    %dma_start3A_354 = tpu.memref_slice %arg6[%dma_start3A_340, %dma_start3A_352, %dma_start3A_353] : memref<8x128x64xf32, #tpu.memory_space<vmem>> -> memref<1x128x64xf32, #tpu.memory_space<vmem>>
    %dma_start3A_355 = tpu.memref_squeeze %dma_start3A_354 : memref<1x128x64xf32, #tpu.memory_space<vmem>> -> memref<128x64xf32, #tpu.memory_space<vmem>>
    tpu.enqueue_dma source(%dma_start3A_355 : memref<128x64xf32, #tpu.memory_space<vmem>>) target(%dma_start3A_351 : memref<128x64xf32, #tpu.memory_space<hbm>>) target_semaphore(%dma_start3A_349 : memref<!tpu.dma_semaphore, #tpu.memory_space<semaphore_mem>>)
    %dma_wait3A_356 = arith.constant 199 : i32
    %dma_wait3A_357 = arith.constant 7 : i32
    %dma_wait3A_358 = arith.constant 7 : i32
    %dma_wait3A_359 = arith.constant 0 : i32
    %dma_wait3A_360 = arith.constant 0 : i32
    %dma_wait3A_361 = tpu.memref_slice %arg6[%dma_wait3A_357, %dma_wait3A_359, %dma_wait3A_360] : memref<8x128x64xf32, #tpu.memory_space<vmem>> -> memref<1x128x64xf32, #tpu.memory_space<vmem>>
    %dma_wait3A_362 = tpu.memref_squeeze %dma_wait3A_361 : memref<1x128x64xf32, #tpu.memory_space<vmem>> -> memref<128x64xf32, #tpu.memory_space<vmem>>
    %dma_wait3A_363 = arith.constant 0 : i32
    %dma_wait3A_364 = tpu.memref_slice %arg5[%dma_wait3A_356, %dma_wait3A_363] : memref<200x128xi32, #tpu.memory_space<vmem>> -> memref<1x128xi32, #tpu.memory_space<vmem>>
    %dma_wait3A_365 = tpu.memref_squeeze %dma_wait3A_364 : memref<1x128xi32, #tpu.memory_space<vmem>> -> memref<128xi32, #tpu.memory_space<vmem>>
    %dma_wait3A_366 = arith.constant 0 : i32
    %dma_wait3A_367 = arith.constant 0 : i32
    %dma_wait3A_368 = tpu.memref_slice %arg3[%dma_wait3A_366, %dma_wait3A_367] : memref<1000000x64xf32, #tpu.memory_space<hbm>> -> memref<1000000x64xf32, #tpu.memory_space<hbm>>
    %dma_wait3A_369 = tpu.memref_slice %arg7[%dma_wait3A_358] : memref<8x!tpu.dma_semaphore, #tpu.memory_space<semaphore_mem>> -> memref<1x!tpu.dma_semaphore, #tpu.memory_space<semaphore_mem>>
    %dma_wait3A_370 = tpu.memref_squeeze %dma_wait3A_369 : memref<1x!tpu.dma_semaphore, #tpu.memory_space<semaphore_mem>> -> memref<!tpu.dma_semaphore, #tpu.memory_space<semaphore_mem>>
    tpu.wait_indirect_dma semaphore(%dma_wait3A_370 : memref<!tpu.dma_semaphore, #tpu.memory_space<semaphore_mem>>) src(%dma_wait3A_368 : memref<1000000x64xf32, #tpu.memory_space<hbm>>) dst(%dma_wait3A_362 : memref<128x64xf32, #tpu.memory_space<vmem>>)
    %add3A_371 = arith.constant 25472 : i32
    %add3A_372 = arith.addi %mul3A_2, %add3A_371 : i32
    %dma_start3A_373 = arith.constant 7 : i32
    %dma_start3A_374 = arith.constant 7 : i32
    %dma_start3A_375 = arith.constant 0 : i32
    %dma_start3A_376 = arith.constant 0 : i32
    %dma_start3A_377 = tpu.memref_slice %arg6[%dma_start3A_373, %dma_start3A_375, %dma_start3A_376] : memref<8x128x64xf32, #tpu.memory_space<vmem>> -> memref<1x128x64xf32, #tpu.memory_space<vmem>>
    %dma_start3A_378 = tpu.memref_squeeze %dma_start3A_377 : memref<1x128x64xf32, #tpu.memory_space<vmem>> -> memref<128x64xf32, #tpu.memory_space<vmem>>
    %dma_start3A_379 = arith.constant 0 : i32
    %dma_start3A_380 = tpu.memref_slice %arg4[%add3A_372, %dma_start3A_379] : memref<819200x64xf32, #tpu.memory_space<hbm>> -> memref<128x64xf32, #tpu.memory_space<hbm>>
    %dma_start3A_381 = tpu.memref_slice %arg8[%dma_start3A_374] : memref<8x!tpu.dma_semaphore, #tpu.memory_space<semaphore_mem>> -> memref<1x!tpu.dma_semaphore, #tpu.memory_space<semaphore_mem>>
    %dma_start3A_382 = tpu.memref_squeeze %dma_start3A_381 : memref<1x!tpu.dma_semaphore, #tpu.memory_space<semaphore_mem>> -> memref<!tpu.dma_semaphore, #tpu.memory_space<semaphore_mem>>
    %dma_start3A_383 = arith.constant 0 : i32
    %dma_start3A_384 = tpu.memref_slice %arg4[%add3A_372, %dma_start3A_383] : memref<819200x64xf32, #tpu.memory_space<hbm>> -> memref<128x64xf32, #tpu.memory_space<hbm>>
    %dma_start3A_385 = arith.constant 0 : i32
    %dma_start3A_386 = arith.constant 0 : i32
    %dma_start3A_387 = tpu.memref_slice %arg6[%dma_start3A_373, %dma_start3A_385, %dma_start3A_386] : memref<8x128x64xf32, #tpu.memory_space<vmem>> -> memref<1x128x64xf32, #tpu.memory_space<vmem>>
    %dma_start3A_388 = tpu.memref_squeeze %dma_start3A_387 : memref<1x128x64xf32, #tpu.memory_space<vmem>> -> memref<128x64xf32, #tpu.memory_space<vmem>>
    tpu.enqueue_dma source(%dma_start3A_388 : memref<128x64xf32, #tpu.memory_space<vmem>>) target(%dma_start3A_384 : memref<128x64xf32, #tpu.memory_space<hbm>>) target_semaphore(%dma_start3A_382 : memref<!tpu.dma_semaphore, #tpu.memory_space<semaphore_mem>>)
    %add3A_389 = arith.constant 24576 : i32
    %add3A_390 = arith.addi %mul3A_2, %add3A_389 : i32
    %dma_wait3A_391 = arith.constant 0 : i32
    %dma_wait3A_392 = arith.constant 0 : i32
    %dma_wait3A_393 = arith.constant 0 : i32
    %dma_wait3A_394 = arith.constant 0 : i32
    %dma_wait3A_395 = tpu.memref_slice %arg6[%dma_wait3A_391, %dma_wait3A_393, %dma_wait3A_394] : memref<8x128x64xf32, #tpu.memory_space<vmem>> -> memref<1x128x64xf32, #tpu.memory_space<vmem>>
    %dma_wait3A_396 = tpu.memref_squeeze %dma_wait3A_395 : memref<1x128x64xf32, #tpu.memory_space<vmem>> -> memref<128x64xf32, #tpu.memory_space<vmem>>
    %dma_wait3A_397 = arith.constant 0 : i32
    %dma_wait3A_398 = tpu.memref_slice %arg4[%add3A_390, %dma_wait3A_397] : memref<819200x64xf32, #tpu.memory_space<hbm>> -> memref<128x64xf32, #tpu.memory_space<hbm>>
    %dma_wait3A_399 = tpu.memref_slice %arg8[%dma_wait3A_392] : memref<8x!tpu.dma_semaphore, #tpu.memory_space<semaphore_mem>> -> memref<1x!tpu.dma_semaphore, #tpu.memory_space<semaphore_mem>>
    %dma_wait3A_400 = tpu.memref_squeeze %dma_wait3A_399 : memref<1x!tpu.dma_semaphore, #tpu.memory_space<semaphore_mem>> -> memref<!tpu.dma_semaphore, #tpu.memory_space<semaphore_mem>>
    %dma_wait3A_401 = arith.constant 0 : i32
    %dma_wait3A_402 = tpu.memref_slice %arg4[%add3A_390, %dma_wait3A_401] : memref<819200x64xf32, #tpu.memory_space<hbm>> -> memref<128x64xf32, #tpu.memory_space<hbm>>
    %dma_wait3A_403 = arith.constant 0 : i32
    %dma_wait3A_404 = arith.constant 0 : i32
    %dma_wait3A_405 = tpu.memref_slice %arg6[%dma_wait3A_391, %dma_wait3A_403, %dma_wait3A_404] : memref<8x128x64xf32, #tpu.memory_space<vmem>> -> memref<1x128x64xf32, #tpu.memory_space<vmem>>
    %dma_wait3A_406 = tpu.memref_squeeze %dma_wait3A_405 : memref<1x128x64xf32, #tpu.memory_space<vmem>> -> memref<128x64xf32, #tpu.memory_space<vmem>>
    tpu.wait_dma2 semaphore(%dma_wait3A_400 : memref<!tpu.dma_semaphore, #tpu.memory_space<semaphore_mem>>) src(%dma_wait3A_406 : memref<128x64xf32, #tpu.memory_space<vmem>>) dst(%dma_wait3A_402 : memref<128x64xf32, #tpu.memory_space<hbm>>)
    %add3A_407 = arith.constant 24704 : i32
    %add3A_408 = arith.addi %mul3A_2, %add3A_407 : i32
    %dma_wait3A_409 = arith.constant 1 : i32
    %dma_wait3A_410 = arith.constant 1 : i32
    %dma_wait3A_411 = arith.constant 0 : i32
    %dma_wait3A_412 = arith.constant 0 : i32
    %dma_wait3A_413 = tpu.memref_slice %arg6[%dma_wait3A_409, %dma_wait3A_411, %dma_wait3A_412] : memref<8x128x64xf32, #tpu.memory_space<vmem>> -> memref<1x128x64xf32, #tpu.memory_space<vmem>>
    %dma_wait3A_414 = tpu.memref_squeeze %dma_wait3A_413 : memref<1x128x64xf32, #tpu.memory_space<vmem>> -> memref<128x64xf32, #tpu.memory_space<vmem>>
    %dma_wait3A_415 = arith.constant 0 : i32
    %dma_wait3A_416 = tpu.memref_slice %arg4[%add3A_408, %dma_wait3A_415] : memref<819200x64xf32, #tpu.memory_space<hbm>> -> memref<128x64xf32, #tpu.memory_space<hbm>>
    %dma_wait3A_417 = tpu.memref_slice %arg8[%dma_wait3A_410] : memref<8x!tpu.dma_semaphore, #tpu.memory_space<semaphore_mem>> -> memref<1x!tpu.dma_semaphore, #tpu.memory_space<semaphore_mem>>
    %dma_wait3A_418 = tpu.memref_squeeze %dma_wait3A_417 : memref<1x!tpu.dma_semaphore, #tpu.memory_space<semaphore_mem>> -> memref<!tpu.dma_semaphore, #tpu.memory_space<semaphore_mem>>
    %dma_wait3A_419 = arith.constant 0 : i32
    %dma_wait3A_420 = tpu.memref_slice %arg4[%add3A_408, %dma_wait3A_419] : memref<819200x64xf32, #tpu.memory_space<hbm>> -> memref<128x64xf32, #tpu.memory_space<hbm>>
    %dma_wait3A_421 = arith.constant 0 : i32
    %dma_wait3A_422 = arith.constant 0 : i32
    %dma_wait3A_423 = tpu.memref_slice %arg6[%dma_wait3A_409, %dma_wait3A_421, %dma_wait3A_422] : memref<8x128x64xf32, #tpu.memory_space<vmem>> -> memref<1x128x64xf32, #tpu.memory_space<vmem>>
    %dma_wait3A_424 = tpu.memref_squeeze %dma_wait3A_423 : memref<1x128x64xf32, #tpu.memory_space<vmem>> -> memref<128x64xf32, #tpu.memory_space<vmem>>
    tpu.wait_dma2 semaphore(%dma_wait3A_418 : memref<!tpu.dma_semaphore, #tpu.memory_space<semaphore_mem>>) src(%dma_wait3A_424 : memref<128x64xf32, #tpu.memory_space<vmem>>) dst(%dma_wait3A_420 : memref<128x64xf32, #tpu.memory_space<hbm>>)
    %add3A_425 = arith.constant 24832 : i32
    %add3A_426 = arith.addi %mul3A_2, %add3A_425 : i32
    %dma_wait3A_427 = arith.constant 2 : i32
    %dma_wait3A_428 = arith.constant 2 : i32
    %dma_wait3A_429 = arith.constant 0 : i32
    %dma_wait3A_430 = arith.constant 0 : i32
    %dma_wait3A_431 = tpu.memref_slice %arg6[%dma_wait3A_427, %dma_wait3A_429, %dma_wait3A_430] : memref<8x128x64xf32, #tpu.memory_space<vmem>> -> memref<1x128x64xf32, #tpu.memory_space<vmem>>
    %dma_wait3A_432 = tpu.memref_squeeze %dma_wait3A_431 : memref<1x128x64xf32, #tpu.memory_space<vmem>> -> memref<128x64xf32, #tpu.memory_space<vmem>>
    %dma_wait3A_433 = arith.constant 0 : i32
    %dma_wait3A_434 = tpu.memref_slice %arg4[%add3A_426, %dma_wait3A_433] : memref<819200x64xf32, #tpu.memory_space<hbm>> -> memref<128x64xf32, #tpu.memory_space<hbm>>
    %dma_wait3A_435 = tpu.memref_slice %arg8[%dma_wait3A_428] : memref<8x!tpu.dma_semaphore, #tpu.memory_space<semaphore_mem>> -> memref<1x!tpu.dma_semaphore, #tpu.memory_space<semaphore_mem>>
    %dma_wait3A_436 = tpu.memref_squeeze %dma_wait3A_435 : memref<1x!tpu.dma_semaphore, #tpu.memory_space<semaphore_mem>> -> memref<!tpu.dma_semaphore, #tpu.memory_space<semaphore_mem>>
    %dma_wait3A_437 = arith.constant 0 : i32
    %dma_wait3A_438 = tpu.memref_slice %arg4[%add3A_426, %dma_wait3A_437] : memref<819200x64xf32, #tpu.memory_space<hbm>> -> memref<128x64xf32, #tpu.memory_space<hbm>>
    %dma_wait3A_439 = arith.constant 0 : i32
    %dma_wait3A_440 = arith.constant 0 : i32
    %dma_wait3A_441 = tpu.memref_slice %arg6[%dma_wait3A_427, %dma_wait3A_439, %dma_wait3A_440] : memref<8x128x64xf32, #tpu.memory_space<vmem>> -> memref<1x128x64xf32, #tpu.memory_space<vmem>>
    %dma_wait3A_442 = tpu.memref_squeeze %dma_wait3A_441 : memref<1x128x64xf32, #tpu.memory_space<vmem>> -> memref<128x64xf32, #tpu.memory_space<vmem>>
    tpu.wait_dma2 semaphore(%dma_wait3A_436 : memref<!tpu.dma_semaphore, #tpu.memory_space<semaphore_mem>>) src(%dma_wait3A_442 : memref<128x64xf32, #tpu.memory_space<vmem>>) dst(%dma_wait3A_438 : memref<128x64xf32, #tpu.memory_space<hbm>>)
    %add3A_443 = arith.constant 24960 : i32
    %add3A_444 = arith.addi %mul3A_2, %add3A_443 : i32
    %dma_wait3A_445 = arith.constant 3 : i32
    %dma_wait3A_446 = arith.constant 3 : i32
    %dma_wait3A_447 = arith.constant 0 : i32
    %dma_wait3A_448 = arith.constant 0 : i32
    %dma_wait3A_449 = tpu.memref_slice %arg6[%dma_wait3A_445, %dma_wait3A_447, %dma_wait3A_448] : memref<8x128x64xf32, #tpu.memory_space<vmem>> -> memref<1x128x64xf32, #tpu.memory_space<vmem>>
    %dma_wait3A_450 = tpu.memref_squeeze %dma_wait3A_449 : memref<1x128x64xf32, #tpu.memory_space<vmem>> -> memref<128x64xf32, #tpu.memory_space<vmem>>
    %dma_wait3A_451 = arith.constant 0 : i32
    %dma_wait3A_452 = tpu.memref_slice %arg4[%add3A_444, %dma_wait3A_451] : memref<819200x64xf32, #tpu.memory_space<hbm>> -> memref<128x64xf32, #tpu.memory_space<hbm>>
    %dma_wait3A_453 = tpu.memref_slice %arg8[%dma_wait3A_446] : memref<8x!tpu.dma_semaphore, #tpu.memory_space<semaphore_mem>> -> memref<1x!tpu.dma_semaphore, #tpu.memory_space<semaphore_mem>>
    %dma_wait3A_454 = tpu.memref_squeeze %dma_wait3A_453 : memref<1x!tpu.dma_semaphore, #tpu.memory_space<semaphore_mem>> -> memref<!tpu.dma_semaphore, #tpu.memory_space<semaphore_mem>>
    %dma_wait3A_455 = arith.constant 0 : i32
    %dma_wait3A_456 = tpu.memref_slice %arg4[%add3A_444, %dma_wait3A_455] : memref<819200x64xf32, #tpu.memory_space<hbm>> -> memref<128x64xf32, #tpu.memory_space<hbm>>
    %dma_wait3A_457 = arith.constant 0 : i32
    %dma_wait3A_458 = arith.constant 0 : i32
    %dma_wait3A_459 = tpu.memref_slice %arg6[%dma_wait3A_445, %dma_wait3A_457, %dma_wait3A_458] : memref<8x128x64xf32, #tpu.memory_space<vmem>> -> memref<1x128x64xf32, #tpu.memory_space<vmem>>
    %dma_wait3A_460 = tpu.memref_squeeze %dma_wait3A_459 : memref<1x128x64xf32, #tpu.memory_space<vmem>> -> memref<128x64xf32, #tpu.memory_space<vmem>>
    tpu.wait_dma2 semaphore(%dma_wait3A_454 : memref<!tpu.dma_semaphore, #tpu.memory_space<semaphore_mem>>) src(%dma_wait3A_460 : memref<128x64xf32, #tpu.memory_space<vmem>>) dst(%dma_wait3A_456 : memref<128x64xf32, #tpu.memory_space<hbm>>)
    %add3A_461 = arith.constant 25088 : i32
    %add3A_462 = arith.addi %mul3A_2, %add3A_461 : i32
    %dma_wait3A_463 = arith.constant 4 : i32
    %dma_wait3A_464 = arith.constant 4 : i32
    %dma_wait3A_465 = arith.constant 0 : i32
    %dma_wait3A_466 = arith.constant 0 : i32
    %dma_wait3A_467 = tpu.memref_slice %arg6[%dma_wait3A_463, %dma_wait3A_465, %dma_wait3A_466] : memref<8x128x64xf32, #tpu.memory_space<vmem>> -> memref<1x128x64xf32, #tpu.memory_space<vmem>>
    %dma_wait3A_468 = tpu.memref_squeeze %dma_wait3A_467 : memref<1x128x64xf32, #tpu.memory_space<vmem>> -> memref<128x64xf32, #tpu.memory_space<vmem>>
    %dma_wait3A_469 = arith.constant 0 : i32
    %dma_wait3A_470 = tpu.memref_slice %arg4[%add3A_462, %dma_wait3A_469] : memref<819200x64xf32, #tpu.memory_space<hbm>> -> memref<128x64xf32, #tpu.memory_space<hbm>>
    %dma_wait3A_471 = tpu.memref_slice %arg8[%dma_wait3A_464] : memref<8x!tpu.dma_semaphore, #tpu.memory_space<semaphore_mem>> -> memref<1x!tpu.dma_semaphore, #tpu.memory_space<semaphore_mem>>
    %dma_wait3A_472 = tpu.memref_squeeze %dma_wait3A_471 : memref<1x!tpu.dma_semaphore, #tpu.memory_space<semaphore_mem>> -> memref<!tpu.dma_semaphore, #tpu.memory_space<semaphore_mem>>
    %dma_wait3A_473 = arith.constant 0 : i32
    %dma_wait3A_474 = tpu.memref_slice %arg4[%add3A_462, %dma_wait3A_473] : memref<819200x64xf32, #tpu.memory_space<hbm>> -> memref<128x64xf32, #tpu.memory_space<hbm>>
    %dma_wait3A_475 = arith.constant 0 : i32
    %dma_wait3A_476 = arith.constant 0 : i32
    %dma_wait3A_477 = tpu.memref_slice %arg6[%dma_wait3A_463, %dma_wait3A_475, %dma_wait3A_476] : memref<8x128x64xf32, #tpu.memory_space<vmem>> -> memref<1x128x64xf32, #tpu.memory_space<vmem>>
    %dma_wait3A_478 = tpu.memref_squeeze %dma_wait3A_477 : memref<1x128x64xf32, #tpu.memory_space<vmem>> -> memref<128x64xf32, #tpu.memory_space<vmem>>
    tpu.wait_dma2 semaphore(%dma_wait3A_472 : memref<!tpu.dma_semaphore, #tpu.memory_space<semaphore_mem>>) src(%dma_wait3A_478 : memref<128x64xf32, #tpu.memory_space<vmem>>) dst(%dma_wait3A_474 : memref<128x64xf32, #tpu.memory_space<hbm>>)
    %add3A_479 = arith.constant 25216 : i32
    %add3A_480 = arith.addi %mul3A_2, %add3A_479 : i32
    %dma_wait3A_481 = arith.constant 5 : i32
    %dma_wait3A_482 = arith.constant 5 : i32
    %dma_wait3A_483 = arith.constant 0 : i32
    %dma_wait3A_484 = arith.constant 0 : i32
    %dma_wait3A_485 = tpu.memref_slice %arg6[%dma_wait3A_481, %dma_wait3A_483, %dma_wait3A_484] : memref<8x128x64xf32, #tpu.memory_space<vmem>> -> memref<1x128x64xf32, #tpu.memory_space<vmem>>
    %dma_wait3A_486 = tpu.memref_squeeze %dma_wait3A_485 : memref<1x128x64xf32, #tpu.memory_space<vmem>> -> memref<128x64xf32, #tpu.memory_space<vmem>>
    %dma_wait3A_487 = arith.constant 0 : i32
    %dma_wait3A_488 = tpu.memref_slice %arg4[%add3A_480, %dma_wait3A_487] : memref<819200x64xf32, #tpu.memory_space<hbm>> -> memref<128x64xf32, #tpu.memory_space<hbm>>
    %dma_wait3A_489 = tpu.memref_slice %arg8[%dma_wait3A_482] : memref<8x!tpu.dma_semaphore, #tpu.memory_space<semaphore_mem>> -> memref<1x!tpu.dma_semaphore, #tpu.memory_space<semaphore_mem>>
    %dma_wait3A_490 = tpu.memref_squeeze %dma_wait3A_489 : memref<1x!tpu.dma_semaphore, #tpu.memory_space<semaphore_mem>> -> memref<!tpu.dma_semaphore, #tpu.memory_space<semaphore_mem>>
    %dma_wait3A_491 = arith.constant 0 : i32
    %dma_wait3A_492 = tpu.memref_slice %arg4[%add3A_480, %dma_wait3A_491] : memref<819200x64xf32, #tpu.memory_space<hbm>> -> memref<128x64xf32, #tpu.memory_space<hbm>>
    %dma_wait3A_493 = arith.constant 0 : i32
    %dma_wait3A_494 = arith.constant 0 : i32
    %dma_wait3A_495 = tpu.memref_slice %arg6[%dma_wait3A_481, %dma_wait3A_493, %dma_wait3A_494] : memref<8x128x64xf32, #tpu.memory_space<vmem>> -> memref<1x128x64xf32, #tpu.memory_space<vmem>>
    %dma_wait3A_496 = tpu.memref_squeeze %dma_wait3A_495 : memref<1x128x64xf32, #tpu.memory_space<vmem>> -> memref<128x64xf32, #tpu.memory_space<vmem>>
    tpu.wait_dma2 semaphore(%dma_wait3A_490 : memref<!tpu.dma_semaphore, #tpu.memory_space<semaphore_mem>>) src(%dma_wait3A_496 : memref<128x64xf32, #tpu.memory_space<vmem>>) dst(%dma_wait3A_492 : memref<128x64xf32, #tpu.memory_space<hbm>>)
    %add3A_497 = arith.constant 25344 : i32
    %add3A_498 = arith.addi %mul3A_2, %add3A_497 : i32
    %dma_wait3A_499 = arith.constant 6 : i32
    %dma_wait3A_500 = arith.constant 6 : i32
    %dma_wait3A_501 = arith.constant 0 : i32
    %dma_wait3A_502 = arith.constant 0 : i32
    %dma_wait3A_503 = tpu.memref_slice %arg6[%dma_wait3A_499, %dma_wait3A_501, %dma_wait3A_502] : memref<8x128x64xf32, #tpu.memory_space<vmem>> -> memref<1x128x64xf32, #tpu.memory_space<vmem>>
    %dma_wait3A_504 = tpu.memref_squeeze %dma_wait3A_503 : memref<1x128x64xf32, #tpu.memory_space<vmem>> -> memref<128x64xf32, #tpu.memory_space<vmem>>
    %dma_wait3A_505 = arith.constant 0 : i32
    %dma_wait3A_506 = tpu.memref_slice %arg4[%add3A_498, %dma_wait3A_505] : memref<819200x64xf32, #tpu.memory_space<hbm>> -> memref<128x64xf32, #tpu.memory_space<hbm>>
    %dma_wait3A_507 = tpu.memref_slice %arg8[%dma_wait3A_500] : memref<8x!tpu.dma_semaphore, #tpu.memory_space<semaphore_mem>> -> memref<1x!tpu.dma_semaphore, #tpu.memory_space<semaphore_mem>>
    %dma_wait3A_508 = tpu.memref_squeeze %dma_wait3A_507 : memref<1x!tpu.dma_semaphore, #tpu.memory_space<semaphore_mem>> -> memref<!tpu.dma_semaphore, #tpu.memory_space<semaphore_mem>>
    %dma_wait3A_509 = arith.constant 0 : i32
    %dma_wait3A_510 = tpu.memref_slice %arg4[%add3A_498, %dma_wait3A_509] : memref<819200x64xf32, #tpu.memory_space<hbm>> -> memref<128x64xf32, #tpu.memory_space<hbm>>
    %dma_wait3A_511 = arith.constant 0 : i32
    %dma_wait3A_512 = arith.constant 0 : i32
    %dma_wait3A_513 = tpu.memref_slice %arg6[%dma_wait3A_499, %dma_wait3A_511, %dma_wait3A_512] : memref<8x128x64xf32, #tpu.memory_space<vmem>> -> memref<1x128x64xf32, #tpu.memory_space<vmem>>
    %dma_wait3A_514 = tpu.memref_squeeze %dma_wait3A_513 : memref<1x128x64xf32, #tpu.memory_space<vmem>> -> memref<128x64xf32, #tpu.memory_space<vmem>>
    tpu.wait_dma2 semaphore(%dma_wait3A_508 : memref<!tpu.dma_semaphore, #tpu.memory_space<semaphore_mem>>) src(%dma_wait3A_514 : memref<128x64xf32, #tpu.memory_space<vmem>>) dst(%dma_wait3A_510 : memref<128x64xf32, #tpu.memory_space<hbm>>)
    %add3A_515 = arith.constant 25472 : i32
    %add3A_516 = arith.addi %mul3A_2, %add3A_515 : i32
    %dma_wait3A_517 = arith.constant 7 : i32
    %dma_wait3A_518 = arith.constant 7 : i32
    %dma_wait3A_519 = arith.constant 0 : i32
    %dma_wait3A_520 = arith.constant 0 : i32
    %dma_wait3A_521 = tpu.memref_slice %arg6[%dma_wait3A_517, %dma_wait3A_519, %dma_wait3A_520] : memref<8x128x64xf32, #tpu.memory_space<vmem>> -> memref<1x128x64xf32, #tpu.memory_space<vmem>>
    %dma_wait3A_522 = tpu.memref_squeeze %dma_wait3A_521 : memref<1x128x64xf32, #tpu.memory_space<vmem>> -> memref<128x64xf32, #tpu.memory_space<vmem>>
    %dma_wait3A_523 = arith.constant 0 : i32
    %dma_wait3A_524 = tpu.memref_slice %arg4[%add3A_516, %dma_wait3A_523] : memref<819200x64xf32, #tpu.memory_space<hbm>> -> memref<128x64xf32, #tpu.memory_space<hbm>>
    %dma_wait3A_525 = tpu.memref_slice %arg8[%dma_wait3A_518] : memref<8x!tpu.dma_semaphore, #tpu.memory_space<semaphore_mem>> -> memref<1x!tpu.dma_semaphore, #tpu.memory_space<semaphore_mem>>
    %dma_wait3A_526 = tpu.memref_squeeze %dma_wait3A_525 : memref<1x!tpu.dma_semaphore, #tpu.memory_space<semaphore_mem>> -> memref<!tpu.dma_semaphore, #tpu.memory_space<semaphore_mem>>
    %dma_wait3A_527 = arith.constant 0 : i32
    %dma_wait3A_528 = tpu.memref_slice %arg4[%add3A_516, %dma_wait3A_527] : memref<819200x64xf32, #tpu.memory_space<hbm>> -> memref<128x64xf32, #tpu.memory_space<hbm>>
    %dma_wait3A_529 = arith.constant 0 : i32
    %dma_wait3A_530 = arith.constant 0 : i32
    %dma_wait3A_531 = tpu.memref_slice %arg6[%dma_wait3A_517, %dma_wait3A_529, %dma_wait3A_530] : memref<8x128x64xf32, #tpu.memory_space<vmem>> -> memref<1x128x64xf32, #tpu.memory_space<vmem>>
    %dma_wait3A_532 = tpu.memref_squeeze %dma_wait3A_531 : memref<1x128x64xf32, #tpu.memory_space<vmem>> -> memref<128x64xf32, #tpu.memory_space<vmem>>
    tpu.wait_dma2 semaphore(%dma_wait3A_526 : memref<!tpu.dma_semaphore, #tpu.memory_space<semaphore_mem>>) src(%dma_wait3A_532 : memref<128x64xf32, #tpu.memory_space<vmem>>) dst(%dma_wait3A_528 : memref<128x64xf32, #tpu.memory_space<hbm>>)
    return
  }
}

</mosaic_0001>

<sc_bundles>
// kernel: kernel.3.cloned.1.call-start
scs
__scs_entry_jumppad:
0x0: {  	(pc) =	sbr.rel $0x88, $3  }
0x1: {  	(tag) =	ssettag $0x0;
	lr =	simm.s32 $0x1  }
0x2: {  	[smem:$0x3F9F] =	sst lr;
	_ =	strace $0xD0000000  }
0x3: {  	_ = 	snop  }
0x4: {  	_ = 	snop  }
0x5: {  	_ = 	snop  }
0x6: {  	_ = 	snop  }
0x7: {  	_ = 	snop  }
__scs_overlays_trampoline_lowered:
0x8: {  	[smem:$0x3FAE] =	sst s0  }
0x9: {  	[smem:$0x3FAF] =	sst s1  }
0xa: {  	[smem:$0x3FB0] =	sst s2  }
0xb: {  	[smem:$0x3FB1] =	sst s3  }
0xc: {  	[smem:$0x3FB2] =	sst s4  }
0xd: {  	[smem:$0x3FB3] =	sst s5  }
0xe: {  	[smem:$0x3FB4] =	sst s6  }
0xf: {  	[smem:$0x3FB5] =	sst s7  }
0x10: {  	[smem:$0x3FB6] =	sst s8  }
0x11: {  	[smem:$0x3FB7] =	sst s9;
	s0 =	simm.s32 @!p0 $0x0  }
0x12: {  	s1 =	sld [smem:$0x3F9D];
	s0 =	simm.s32 @p0 $0x1  }
0x13: {  	[smem:$0x3FB8] =	sst s0;
	s0 =	simm.s32 @!p1 $0x0  }
0x14: {  	s2 =	sld [smem:$0x3F9C];
	s0 =	simm.s32 @p1 $0x1  }
0x15: {  	[smem:$0x3FB9] =	sst s0;
	s0 =	simm.s32 @!p2 $0x0  }
0x16: {  	s3 =	sld [smem:$0x3FDB];
	s0 =	simm.s32 @p2 $0x1  }
0x17: {  	s4 =	simm.s32 $0x1BF5;
	[smem:$0x3FBB] =	sst s0  }
0x18: {  	s0 =	sld [smem:$0x3F9E];
	_ =	swait.ge [sflag:s4], $0x0  }
0x19: {  	s7 =	sld [smem:$0x3F9F]  }
0x1a: {  	s8 =	sadd.s32 $0xFFFFE003, lr  }
0x1b: {  	s9 =	sadd.s32 $0xFFFFFEF7, lr;
	s5 =	simm.s32 $0xFFFFFFFF;
	p2 =	slt.u32 s8, $0xFFFFF086  }
0x1c: {  	p1 =	slt.u32 s9, $0xF7A;
	s5 =	simm.s32 @!p2 $0x0  }
0x1d: {  	s5 =	simm.s32 @p1 $0x1;
	p0 =	seq.s32 s7, s2  }
0x1e: {  	s7 =	smul.u32 @!p0 $0xF7A, s2;
	p2 =	seq.s32 @!p0 s5, $0x0  }
0x1f: {  	s9 =	smul.u32 $0xF7A, s1;
	s8 =	simm.s32 @!p0 $0x1BF5;
	p2 =	por !p2, p0  }
0x20: {  	[sflag:s8] =	ssyncset.s32 @!p0 $0xFFFFF086;
	s6 =	sadd.s32 @!p0 s3, s7;
	s7 =	simm.s32 @!p0 $0x108  }
0x21: {  	s3 =	sadd.s32 s3, s9;
	s6 =	sadd.s32 @!p0 $0x88, s6;
	s7 =	simm.s32 @p2 $0x1082  }
0x22: {  	[simem:s7], [sflag:s8] =	dma.local @!p0 [hbm:s6], $0xF7A  }
0x23: {  	s9 =	sor.u32 $0xD0000000, s2;
	s6 =	simm.s32 $0x108;
	_ =	swait.ge @!p0 [sflag:s8], $0x0  }
0x24: {  	s3 =	sadd.s32 $0x88, s3;
	s6 =	simm.s32 @!p1 $0x1082;
	[sflag:s4] =	ssyncset.s32 $0xFFFFF086  }
0x25: {  	[simem:s6], [sflag:s4] =	dma.local [hbm:s3], $0xF7A  }
0x26: {  	[smem:$0x3F9F] =	sst s1;
	(tag) =	ssettag s2;
	_ =	strace s9  }
0x27: {  	s1 =	sld [smem:$0x3FAF]  }
0x28: {  	s2 =	sld [smem:$0x3FB0]  }
0x29: {  	s4 =	sld [smem:$0x3FB2]  }
0x2a: {  	p0 =	seq.s32 s5, $0x0;
	s5 =	sld [smem:$0x3FB3]  }
0x2b: {  	s6 =	sld [smem:$0x3FB4]  }
0x2c: {  	s7 =	sld [smem:$0x3FB5]  }
0x2d: {  	s3 =	simm.s32 $0x108;
	s8 =	sld [smem:$0x3FB6]  }
0x2e: {  	s3 =	simm.s32 @!p0 $0x1082;
	s9 =	sld [smem:$0x3FB7]  }
0x2f: {  	lr =	sadd.s32 s0, s3;
	s0 =	sld [smem:$0x3FAE]  }
0x30: {  	s3 =	sld [smem:$0x3FB1]  }
0x31: {  	[smem:$0x3FBA] =	sst s10  }
0x32: {  	s10 =	sld [smem:$0x3FB8];
	_ =	sdelay $0x3  }
0x33: {  	p0 =	seq.s32 s10, $0x1;
	s10 =	sld [smem:$0x3FBA];
	_ =	sdelay $0x3  }
0x34: {  	[smem:$0x3FBA] =	sst s10  }
0x35: {  	s10 =	sld [smem:$0x3FB9];
	_ =	sdelay $0x3  }
0x36: {  	p1 =	seq.s32 s10, $0x1;
	s10 =	sld [smem:$0x3FBA];
	_ =	sdelay $0x3  }
0x37: {  	[smem:$0x3FBA] =	sst s10  }
0x38: {  	s10 =	sld [smem:$0x3FBB]  }
0x39: {  	_ = 	snop;
	(pc) =	sbr.ind lr, $3  }
0x3a: {  	_ = 	snop  }
0x3b: {  	_ = 	snop  }
0x3c: {  	p2 =	seq.s32 s10, $0x1;
	s10 =	sld [smem:$0x3FBA]  }
0x3d: {  	_ =	shalt  }
0x3e: {  	_ =	shalt  }
0x3f: {  	_ =	shalt  }
0x40: {  	_ =	shalt  }
0x41: {  	_ =	shalt  }
0x42: {  	_ =	shalt  }
0x43: {  	_ =	shalt  }
0x44: {  	_ =	shalt  }
0x45: {  	_ =	shalt  }
0x46: {  	_ =	shalt  }
0x47: {  	_ =	shalt  }
0x48: {  	_ =	shalt  }
0x49: {  	_ =	shalt  }
0x4a: {  	_ =	shalt  }
0x4b: {  	_ =	shalt  }
0x4c: {  	_ =	shalt  }
0x4d: {  	_ =	shalt  }
0x4e: {  	_ =	shalt  }
0x4f: {  	_ =	shalt  }
0x50: {  	_ =	shalt  }
0x51: {  	_ =	shalt  }
0x52: {  	_ =	shalt  }
0x53: {  	_ =	shalt  }
0x54: {  	_ =	shalt  }
0x55: {  	_ =	shalt  }
0x56: {  	_ =	shalt  }
0x57: {  	_ =	shalt  }
0x58: {  	_ =	shalt  }
0x59: {  	_ =	shalt  }
0x5a: {  	_ =	shalt  }
0x5b: {  	_ =	shalt  }
0x5c: {  	_ =	shalt  }
0x5d: {  	_ =	shalt  }
0x5e: {  	_ =	shalt  }
0x5f: {  	_ =	shalt  }
0x60: {  	_ =	shalt  }
0x61: {  	_ =	shalt  }
0x62: {  	_ =	shalt  }
0x63: {  	_ =	shalt  }
0x64: {  	_ =	shalt  }
0x65: {  	_ =	shalt  }
0x66: {  	_ =	shalt  }
0x67: {  	_ =	shalt  }
0x68: {  	_ =	shalt  }
0x69: {  	_ =	shalt  }
0x6a: {  	_ =	shalt  }
0x6b: {  	_ =	shalt  }
0x6c: {  	_ =	shalt  }
0x6d: {  	_ =	shalt  }
0x6e: {  	_ =	shalt  }
0x6f: {  	_ =	shalt  }
0x70: {  	_ =	shalt  }
0x71: {  	_ =	shalt  }
0x72: {  	_ =	shalt  }
0x73: {  	_ =	shalt  }
0x74: {  	_ =	shalt  }
0x75: {  	_ =	shalt  }
0x76: {  	_ =	shalt  }
0x77: {  	_ =	shalt  }
0x78: {  	_ =	shalt  }
0x79: {  	_ =	shalt  }
0x7a: {  	_ =	shalt  }
0x7b: {  	_ =	shalt  }
0x7c: {  	_ =	shalt  }
0x7d: {  	_ =	shalt  }
0x7e: {  	_ =	shalt  }
0x7f: {  	_ =	shalt  }
0x80: {  	_ =	shalt  }
0x81: {  	_ =	shalt  }
0x82: {  	_ =	shalt  }
0x83: {  	_ =	shalt  }
0x84: {  	_ =	shalt  }
0x85: {  	_ =	shalt  }
0x86: {  	_ =	shalt  }
0x87: {  	_ =	shalt  }
.Lfunc_end0:
.L_simem_size_0:
called_computation.1_lowered:
.L_overlay_start_0:
0x88: {  	s2 =	sld [smem:$0x3FD9]  }
0x89: {  	s3 =	sld [smem:$0x3FFE];
	_ =	sdelay $0x1  }
0x8a: {  	s1 =	srdreg.scid  }
0x8b: {  	s0 =	sand.u32 $0x1, s1  }
0x8c: {  	s17 =	sshll.u32 s0, $0xA;
	s2 =	sadd.s32 s3, s2  }
0x8d: {  	s2 =	sadd.s32 s2, s17  }
0x8e: {  	[smem:$0x3FC6] =	sst s2  }
0x8f: {  	_ = 	snop  }
0x90: {  	s2 =	sld [smem:$0x3FD0];
	(tm) =	ssettm $0x1  }
0x91: {  	s18 =	sld [smem:$0x3FFB];
	_ =	sdelay $0x3  }
0x92: {  	_ =	strace s18  }
0x93: {  	s3 =	sld [smem:$0x3FFC];
	_ =	sdelay $0x3  }
0x94: {  	_ =	strace s3  }
0x95: {  	s3 =	sld [smem:$0x3FFD];
	_ =	sdelay $0x3  }
0x96: {  	_ =	strace s3  }
0x97: {  	_ =	strace $0x8FFFFFFF  }
0x98: {  	s19 =	sld [smem:$0x3FDB];
	_ =	sdelay $0x1  }
0x99: {  	s4 =	simm.s32 $_scs_section_size  }
0x9a: {  	s5 =	simm.s32 $_size__tile_overlayer_lowered;
	s6 =	simm.s32 $_tile_overlayer_lowered  }
0x9b: {  	s22 =	simm.s32 $0x1BFF;
	s21 =	sshll.u32 s6, $0x1;
	s3 =	sadd.s32 s4, s19  }
0x9c: {  	s7 =	simm.s32 $0x0;
	s20 =	sshll.u32 s5, $0x1;
	s5 =	sadd.s32 s21, s3  }
0x9d: {  	[timem:s7], [sflag:s22] =	dma.local [hbm:s5], s20  }
0x9e: {  	_ =	swait.ge [sflag:s22], s20  }
0x9f: {  	s4 =	ssub.s32 $0x0, s20;
	[sflag:s22] =	ssyncset.done $0x0  }
0xa0: {  	[sflag:s22] =	ssyncadd.s32 s4;
	_ =	sdelay $0x1  }
0xa1: {  	s23 =	simm.s32 $0x1B8B  }
0xa2: {  	_ =	swait.ge [sflag:s23], $0x1  }
0xa3: {  	[sflag:s23] =	ssyncset.done $0x0  }
0xa4: {  	s25 =	simm.s32 $0x1B8E;
	s24 =	sld [smem:$0x3FFE];
	[sflag:s23] =	ssyncadd.s32 $0xFFFFFFFF  }
0xa5: {  	s26 =	simm.s32 $execute0_lowered;
	[smem:$0x3FD2] =	sst s25  }
0xa6: {  	s5 =	sshll.u32 s26, $0x1;
	_ =	strace $0x80000046;
	[dreg:$0x1] =	wrdreg $0xFFFFFFFF  }
0xa7: {  	s28 =	simm.s32 $_size_execute0_lowered;
	s3 =	sadd.s32 s3, s5;
	[dreg:$0x0] =	wrdreg $0x0  }
0xa8: {  	s5 =	sshll.u32 s28, $0x1;
	[dreg:$0x2] =	wrdreg s3  }
0xa9: {  	[dreg:$0x3] =	wrdreg s5  }
0xaa: {  	[dreg:$0x4] =	wrdreg $0xC0  }
0xab: {  	_ =	task [dreg:s7], $0x5FFFF  }
0xac: {  	[dreg:$0x1] =	wrdreg $0xFFFFFFFF  }
0xad: {  	[dreg:$0x0] =	wrdreg $0x60  }
0xae: {  	[dreg:$0x2] =	wrdreg s24  }
0xaf: {  	[dreg:$0x3] =	wrdreg s2  }
0xb0: {  	[dreg:$0x4] =	wrdreg $0x9  }
0xb1: {  	_ =	task.clear_ibuf [dreg:s7], $0x5FFFF;
	_ =	strace $0x90000046  }
0xb2: {  	s29 =	simm.s32 $0x9;
	_ =	strace $0x80000048  }
0xb3: {  	_ =	swait.ge [sflag:s29], $0x1  }
0xb4: {  	[sflag:s29] =	ssyncadd.s32 $0xFFFFFFFF  }
0xb5: {  	_ =	strace $0x90000048  }
0xb6: {  	_ =	sfence  }
0xb7: {  	s30 =	sld [smem:$0x0];
	_ =	sdelay $0x2  }
0xb8: {  	s31 =	sshll.u32 s1, $0xD;
	s1 =	sshrl.u32 s1, $0x2  }
0xb9: {  	s3 =	sand.u32 $0x4000, s31;
	s1 =	sadd.s32 s1, s30  }
0xba: {  	s0 =	sor.u32 s3, s0;
	s1 =	sshll.u32 s1, $0x11  }
0xbb: {  	s0 =	sor.u32 s1, s0  }
0xbc: {  	s0 =	sadd.s32 $0x8F2B, s0  }
0xbd: {  	[sflag:s0] =	ssyncadd.remote.s32 $0x1  }
0xbe: {  	_ =	sfence.sel $0xFFFF  }
0xbf: {  	[dreg:$0x0] =	wrdreg $0xFFFFFFFF;
	(pc) =	sbr.abs _section_cstart, $3  }
0xc0: {  	[dreg:$0x1] =	wrdreg $0xFFFFFFFF  }
0xc1: {  	_ =	task.clear_ibuf [dreg:s7], $0x2FFFF;
	_ =	strace $0x9FFFFFFF  }
0xc2: {  	(tm) =	ssettm $0x7FFFFFFF  }
0xc3: {  	_ =	shalt  }
tec
execute0_lowered:
.L_overlay_start_1:
0x0: {  	(tag) =	ssettag $0x1  }
0x1: {  	s9 =	stileid.u32  }
0x2: {  	s0 =	srdreg.scid;
	s6 =	smul.u32 $0x320000, s9  }
0x3: {  	s0 =	sand.u32 $0x1, s0;
	s2 =	sshll.u32 s9, $0x1;
	s9 =	smul.u32 $0xC800, s9  }
0x4: {  	s1 =	rddreg [dreg:$0x0];
	s7 =	smul.u32 $0x190000, s0  }
0x5: {  	s5 =	sor.u32 s0, s2;
	s8 =	ssub.s32 $0x2, s0;
	s0 =	smul.u32 $0x6400, s0  }
0x6: {  	s4 =	rddreg [dreg:$0x1];
	s2 =	simm.s32 $0x0;
	s3 =	smul.u32 $0x6400, s5  }
0x7: {  	[smem:$0x7FF] =	sst s2;
	s11 =	sshrl.u32 s8, $0x1;
	s5 =	smul.u32 $0x190000, s5  }
0x8: {  	_ =	strace $0x80000047;
	s12 =	ssub.s32 s8, s11;
	s6 =	sadd.s32 s7, s6  }
0x9: {  	s0 =	sadd.s32 s0, s9;
	s3 =	sshrl.u32 s3, $0x3;
	s6 =	sshrl.u32 s6, $0x3  }
0xa: {  	s5 =	sshrl.u32 s5, $0x3;
	s10 =	sadd.s32 s3, s1;
	s6 =	sadd.s32 s6, s4  }
0xb: {  	s3 =	sadd.s32 $0xF42E00, s1;
	s1 =	smax.u32 s12, $0x1;
	[dreg:$0x3] =	wrdreg s6  }
0xc: {  	s5 =	sadd.s32 s4, s5;
	s13 =	sadd.s32 $0xA00, s10;
	[dreg:$0x14] =	wrdreg s1  }
0xd: {  	s0 =	sshll.u32 s0, $0x3;
	s14 =	sadd.s32 $0x30000, s5;
	[dreg:$0xb] =	wrdreg s13  }
0xe: {  	s0 =	sadd.s32 s0, s4;
	s16 =	sadd.s32 $0x30400, s5;
	[dreg:$0xc] =	wrdreg s14  }
0xf: {  	s15 =	sadd.s32 $0x1C00, s0;
	[dreg:$0xd] =	wrdreg s16  }
0x10: {  	s18 =	sadd.s32 $0x30800, s5;
	[dreg:$0x4] =	wrdreg s15  }
0x11: {  	s29 =	simm.s32 $0x9;
	s17 =	sadd.s32 $0x1800, s0;
	[dreg:$0xe] =	wrdreg s18  }
0x12: {  	s31 =	simm.s32 $0x14400;
	s20 =	sadd.s32 $0x30C00, s5;
	[dreg:$0x5] =	wrdreg s17  }
0x13: {  	s30 =	simm.s32 $0x12400;
	s19 =	sadd.s32 $0x1400, s0;
	[dreg:$0xf] =	wrdreg s20  }
0x14: {  	s7 =	simm.s32 $0xD;
	s22 =	sadd.s32 $0x31000, s5;
	[dreg:$0x6] =	wrdreg s19  }
0x15: {  	s8 =	simm.s32 $0xE;
	s21 =	sadd.s32 $0x1000, s0;
	[dreg:$0x10] =	wrdreg s22  }
0x16: {  	s9 =	simm.s32 $0xF;
	s24 =	sadd.s32 $0x31400, s5;
	[dreg:$0x7] =	wrdreg s21  }
0x17: {  	s4 =	simm.s32 $0xA;
	s23 =	sadd.s32 $0xC00, s0;
	[dreg:$0x11] =	wrdreg s24  }
0x18: {  	s12 =	simm.s32 $0x0;
	s26 =	sadd.s32 $0x31800, s5;
	[dreg:$0x8] =	wrdreg s23  }
0x19: {  	s25 =	sadd.s32 $0x800, s0;
	s0 =	sadd.s32 $0x400, s0;
	[dreg:$0x12] =	wrdreg s26  }
0x1a: {  	s28 =	sadd.s32 $0x31C00, s5;
	s1 =	simm.s32 $0x2;
	[dreg:$0x9] =	wrdreg s25  }
0x1b: {  	s5 =	simm.s32 $0xB;
	s6 =	simm.s32 $0xC;
	[dreg:$0x13] =	wrdreg s28  }
0x1c: {  	s10 =	simm.s32 $0x10;
	[dreg:$0xa] =	wrdreg s0;
	s15 =	simm.s32 $0x80  }
0x1d: {  	s0 =	simm.s32 $0x3;
	s18 =	simm.s32 $0x4;
	s20 =	simm.s32 $0x5  }
0x1e: {  	s22 =	simm.s32 $0x6;
	s24 =	simm.s32 $0x7;
	s26 =	simm.s32 $0x8  }
.LBB2_1:
0x1f: {  	[dreg:$0x15] =	wrdreg s12  }
0x20: {  	s11 =	rddreg [dreg:$0xb];
	s14 =	simm.s32 $0x11  }
0x21: {  	[tilespmem:s2], [sflag:$0x11] =	stream.linear.gather [hbm4b:s11+s2], $0x6400, $0x38;
	[tilespmem:$0x16400] =	vst v63  }
0x22: {  	_ =	swait.ge [sflag:s14], $0x6400  }
0x23: {  	[sflag:s14] =	ssyncset.done $0x0  }
0x24: {  	s12 =	simm.s32 $0x6400;
	[sflag:s14] =	ssyncadd.s32 $0xFFFF9C00  }
0x25: {  	[tilespmem:s12], [sflag:$0x1] =	stream.indirect.gather [hbm4b:s3+s15], $0x40, s2, s15, $0xb8;
	[tilespmem:$0x16400] =	vst v63  }
0x26: {  	s13 =	simm.s32 $0x8400  }
0x27: {  	[tilespmem:s13], [sflag:$0x2] =	stream.indirect.gather [hbm4b:s3+s15], $0x40, s15, s15, $0xb8;
	[tilespmem:$0x16400] =	vst v63  }
0x28: {  	s16 =	simm.s32 $0x100;
	s14 =	simm.s32 $0xA400  }
0x29: {  	[tilespmem:s14], [sflag:$0x3] =	stream.indirect.gather [hbm4b:s3+s15], $0x40, s16, s15, $0xb8;
	[tilespmem:$0x16400] =	vst v63  }
0x2a: {  	s17 =	simm.s32 $0x180;
	s16 =	simm.s32 $0xC400  }
0x2b: {  	[tilespmem:s16], [sflag:$0x4] =	stream.indirect.gather [hbm4b:s3+s15], $0x40, s17, s15, $0xb8;
	[tilespmem:$0x16400] =	vst v63  }
0x2c: {  	s19 =	simm.s32 $0x200;
	s17 =	simm.s32 $0xE400  }
0x2d: {  	[tilespmem:s17], [sflag:$0x5] =	stream.indirect.gather [hbm4b:s3+s15], $0x40, s19, s15, $0xb8;
	[tilespmem:$0x16400] =	vst v63  }
0x2e: {  	s21 =	simm.s32 $0x280;
	s19 =	simm.s32 $0x10400  }
0x2f: {  	[tilespmem:s19], [sflag:$0x6] =	stream.indirect.gather [hbm4b:s3+s15], $0x40, s21, s15, $0xb8;
	[tilespmem:$0x16400] =	vst v63  }
0x30: {  	s23 =	simm.s32 $0x300;
	s21 =	simm.s32 $0x12400  }
0x31: {  	[tilespmem:s21], [sflag:$0x7] =	stream.indirect.gather [hbm4b:s3+s15], $0x40, s23, s15, $0xb8;
	[tilespmem:$0x16400] =	vst v63  }
0x32: {  	s25 =	simm.s32 $0x380;
	s23 =	simm.s32 $0x14400  }
0x33: {  	[tilespmem:s23], [sflag:$0x8] =	stream.indirect.gather [hbm4b:s3+s15], $0x40, s25, s15, $0xb8;
	[tilespmem:$0x16400] =	vst v63  }
0x34: {  	s25 =	simm.s32 $0x1  }
0x35: {  	_ =	swait.ge [sflag:s25], $0x2000  }
0x36: {  	s28 =	rddreg [dreg:$0x3];
	[sflag:s25] =	ssyncset.done $0x0  }
0x37: {  	[sflag:s25] =	ssyncadd.s32 $0xFFFFE000;
	s11 =	sadd.s32 $0x0, s28  }
0x38: {  	[hbm4b:s11+s2] =	stream.linear.scatter [tilespmem:s12], [sflag:$0x9], $0x2000, $0x38;
	[tilespmem:$0x16400] =	vst v63  }
0x39: {  	_ =	swait.ge [sflag:s1], $0x2000  }
0x3a: {  	s25 =	rddreg [dreg:$0xa];
	[sflag:s1] =	ssyncset.done $0x0  }
0x3b: {  	[sflag:s1] =	ssyncadd.s32 $0xFFFFE000;
	s11 =	sadd.s32 $0x0, s25  }
0x3c: {  	[hbm4b:s11+s2] =	stream.linear.scatter [tilespmem:s13], [sflag:$0xA], $0x2000, $0x38;
	[tilespmem:$0x16400] =	vst v63  }
0x3d: {  	_ =	swait.ge [sflag:s0], $0x2000  }
0x3e: {  	s28 =	rddreg [dreg:$0x9];
	[sflag:s0] =	ssyncset.done $0x0  }
0x3f: {  	[sflag:s0] =	ssyncadd.s32 $0xFFFFE000;
	s11 =	sadd.s32 $0x0, s28  }
0x40: {  	[hbm4b:s11+s2] =	stream.linear.scatter [tilespmem:s14], [sflag:$0xB], $0x2000, $0x38;
	[tilespmem:$0x16400] =	vst v63  }
0x41: {  	_ =	swait.ge [sflag:s18], $0x2000  }
0x42: {  	s25 =	rddreg [dreg:$0x8];
	[sflag:s18] =	ssyncset.done $0x0  }
0x43: {  	[sflag:s18] =	ssyncadd.s32 $0xFFFFE000;
	s11 =	sadd.s32 $0x0, s25  }
0x44: {  	[hbm4b:s11+s2] =	stream.linear.scatter [tilespmem:s16], [sflag:$0xC], $0x2000, $0x38;
	[tilespmem:$0x16400] =	vst v63  }
0x45: {  	_ =	swait.ge [sflag:s20], $0x2000  }
0x46: {  	s28 =	rddreg [dreg:$0x7];
	[sflag:s20] =	ssyncset.done $0x0  }
0x47: {  	[sflag:s20] =	ssyncadd.s32 $0xFFFFE000;
	s11 =	sadd.s32 $0x0, s28  }
0x48: {  	[hbm4b:s11+s2] =	stream.linear.scatter [tilespmem:s17], [sflag:$0xD], $0x2000, $0x38;
	[tilespmem:$0x16400] =	vst v63  }
0x49: {  	_ =	swait.ge [sflag:s22], $0x2000  }
0x4a: {  	s25 =	rddreg [dreg:$0x6];
	[sflag:s22] =	ssyncset.done $0x0  }
0x4b: {  	[sflag:s22] =	ssyncadd.s32 $0xFFFFE000;
	s11 =	sadd.s32 $0x0, s25  }
0x4c: {  	[hbm4b:s11+s2] =	stream.linear.scatter [tilespmem:s19], [sflag:$0xE], $0x2000, $0x38;
	[tilespmem:$0x16400] =	vst v63  }
0x4d: {  	_ =	swait.ge [sflag:s24], $0x2000  }
0x4e: {  	s28 =	rddreg [dreg:$0x5];
	[sflag:s24] =	ssyncset.done $0x0  }
0x4f: {  	[sflag:s24] =	ssyncadd.s32 $0xFFFFE000;
	s11 =	sadd.s32 $0x0, s28  }
0x50: {  	[hbm4b:s11+s2] =	stream.linear.scatter [tilespmem:s21], [sflag:$0xF], $0x2000, $0x38;
	[tilespmem:$0x16400] =	vst v63  }
0x51: {  	_ =	swait.ge [sflag:s26], $0x2000  }
0x52: {  	s25 =	rddreg [dreg:$0x4];
	[sflag:s26] =	ssyncset.done $0x0  }
0x53: {  	[sflag:s26] =	ssyncadd.s32 $0xFFFFE000;
	s11 =	sadd.s32 $0x0, s25  }
0x54: {  	[hbm4b:s11+s2] =	stream.linear.scatter [tilespmem:s23], [sflag:$0x10], $0x2000, $0x38;
	[tilespmem:$0x16400] =	vst v63  }
0x55: {  	_ =	swait.ge [sflag:s29], $0x2000  }
0x56: {  	[sflag:s29] =	ssyncset.done $0x0  }
0x57: {  	s28 =	simm.s32 $0x400;
	[sflag:s29] =	ssyncadd.s32 $0xFFFFE000  }
0x58: {  	[tilespmem:s12], [sflag:$0x1] =	stream.indirect.gather [hbm4b:s3+s15], $0x40, s28, s15, $0xb8;
	[tilespmem:$0x16400] =	vst v63  }
0x59: {  	_ =	swait.ge [sflag:s4], $0x2000  }
0x5a: {  	[sflag:s4] =	ssyncset.done $0x0  }
0x5b: {  	s12 =	simm.s32 $0x480;
	[sflag:s4] =	ssyncadd.s32 $0xFFFFE000  }
0x5c: {  	[tilespmem:s13], [sflag:$0x2] =	stream.indirect.gather [hbm4b:s3+s15], $0x40, s12, s15, $0xb8;
	[tilespmem:$0x16400] =	vst v63  }
0x5d: {  	_ =	swait.ge [sflag:s5], $0x2000  }
0x5e: {  	[sflag:s5] =	ssyncset.done $0x0  }
0x5f: {  	s13 =	simm.s32 $0x500;
	[sflag:s5] =	ssyncadd.s32 $0xFFFFE000  }
0x60: {  	[tilespmem:s14], [sflag:$0x3] =	stream.indirect.gather [hbm4b:s3+s15], $0x40, s13, s15, $0xb8;
	[tilespmem:$0x16400] =	vst v63  }
0x61: {  	_ =	swait.ge [sflag:s6], $0x2000  }
0x62: {  	[sflag:s6] =	ssyncset.done $0x0  }
0x63: {  	s14 =	simm.s32 $0x580;
	[sflag:s6] =	ssyncadd.s32 $0xFFFFE000  }
0x64: {  	[tilespmem:s16], [sflag:$0x4] =	stream.indirect.gather [hbm4b:s3+s15], $0x40, s14, s15, $0xb8;
	[tilespmem:$0x16400] =	vst v63  }
0x65: {  	_ =	swait.ge [sflag:s7], $0x2000  }
0x66: {  	[sflag:s7] =	ssyncset.done $0x0  }
0x67: {  	s23 =	simm.s32 $0x600;
	[sflag:s7] =	ssyncadd.s32 $0xFFFFE000  }
0x68: {  	[tilespmem:s17], [sflag:$0x5] =	stream.indirect.gather [hbm4b:s3+s15], $0x40, s23, s15, $0xb8;
	[tilespmem:$0x16400] =	vst v63  }
0x69: {  	_ =	swait.ge [sflag:s8], $0x2000  }
0x6a: {  	[sflag:s8] =	ssyncset.done $0x0  }
0x6b: {  	s25 =	simm.s32 $0x680;
	[sflag:s8] =	ssyncadd.s32 $0xFFFFE000  }
0x6c: {  	[tilespmem:s19], [sflag:$0x6] =	stream.indirect.gather [hbm4b:s3+s15], $0x40, s25, s15, $0xb8;
	[tilespmem:$0x16400] =	vst v63  }
0x6d: {  	_ =	swait.ge [sflag:s9], $0x2000  }
0x6e: {  	[sflag:s9] =	ssyncset.done $0x0  }
0x6f: {  	s28 =	simm.s32 $0x700;
	[sflag:s9] =	ssyncadd.s32 $0xFFFFE000  }
0x70: {  	[tilespmem:s21], [sflag:$0x7] =	stream.indirect.gather [hbm4b:s3+s15], $0x40, s28, s15, $0xb8;
	[tilespmem:$0x16400] =	vst v63  }
0x71: {  	_ =	swait.ge [sflag:s10], $0x2000  }
0x72: {  	s12 =	simm.s32 $0x780;
	[sflag:s10] =	ssyncset.done $0x0  }
0x73: {  	s13 =	simm.s32 $0x2000;
	s14 =	simm.s32 $0xB80;
	[sflag:s10] =	ssyncadd.s32 $0xFFFFE000  }
.LBB2_2:
0x74: {  	[tilespmem:s31], [sflag:$0x8] =	stream.indirect.gather [hbm4b:s3+s15], $0x40, s12, s15, $0xb8;
	[tilespmem:$0x16400] =	vst v63  }
0x75: {  	s17 =	simm.s32 $0x1  }
0x76: {  	_ =	swait.ge [sflag:s17], $0x2000  }
0x77: {  	s11 =	smov.u32 s13;
	s16 =	rddreg [dreg:$0x3];
	[sflag:s17] =	ssyncset.done $0x0  }
0x78: {  	[sflag:s17] =	ssyncadd.s32 $0xFFFFE000;
	s16 =	sadd.s32 s11, s16;
	s17 =	simm.s32 $0x6400  }
0x79: {  	[hbm4b:s16+s2] =	stream.linear.scatter [tilespmem:s17], [sflag:$0x9], $0x2000, $0x38;
	[tilespmem:$0x16400] =	vst v63  }
0x7a: {  	_ =	swait.ge [sflag:s1], $0x2000  }
0x7b: {  	s19 =	rddreg [dreg:$0xa];
	[sflag:s1] =	ssyncset.done $0x0  }
0x7c: {  	[sflag:s1] =	ssyncadd.s32 $0xFFFFE000;
	s16 =	sadd.s32 s11, s19;
	s19 =	simm.s32 $0x8400  }
0x7d: {  	[hbm4b:s16+s2] =	stream.linear.scatter [tilespmem:s19], [sflag:$0xA], $0x2000, $0x38;
	[tilespmem:$0x16400] =	vst v63  }
0x7e: {  	_ =	swait.ge [sflag:s0], $0x2000  }
0x7f: {  	s21 =	rddreg [dreg:$0x9];
	[sflag:s0] =	ssyncset.done $0x0  }
0x80: {  	[sflag:s0] =	ssyncadd.s32 $0xFFFFE000;
	s16 =	sadd.s32 s11, s21;
	s21 =	simm.s32 $0xA400  }
0x81: {  	[hbm4b:s16+s2] =	stream.linear.scatter [tilespmem:s21], [sflag:$0xB], $0x2000, $0x38;
	[tilespmem:$0x16400] =	vst v63  }
0x82: {  	_ =	swait.ge [sflag:s18], $0x2000  }
0x83: {  	s23 =	rddreg [dreg:$0x8];
	[sflag:s18] =	ssyncset.done $0x0  }
0x84: {  	[sflag:s18] =	ssyncadd.s32 $0xFFFFE000;
	s16 =	sadd.s32 s11, s23;
	s23 =	simm.s32 $0xC400  }
0x85: {  	[hbm4b:s16+s2] =	stream.linear.scatter [tilespmem:s23], [sflag:$0xC], $0x2000, $0x38;
	[tilespmem:$0x16400] =	vst v63  }
0x86: {  	_ =	swait.ge [sflag:s20], $0x2000  }
0x87: {  	s25 =	rddreg [dreg:$0x7];
	[sflag:s20] =	ssyncset.done $0x0  }
0x88: {  	[sflag:s20] =	ssyncadd.s32 $0xFFFFE000;
	s16 =	sadd.s32 s11, s25;
	s25 =	simm.s32 $0xE400  }
0x89: {  	[hbm4b:s16+s2] =	stream.linear.scatter [tilespmem:s25], [sflag:$0xD], $0x2000, $0x38;
	[tilespmem:$0x16400] =	vst v63  }
0x8a: {  	_ =	swait.ge [sflag:s22], $0x2000  }
0x8b: {  	s16 =	rddreg [dreg:$0x6];
	[sflag:s22] =	ssyncset.done $0x0  }
0x8c: {  	s28 =	simm.s32 $0x10400;
	[sflag:s22] =	ssyncadd.s32 $0xFFFFE000;
	s16 =	sadd.s32 s11, s16  }
0x8d: {  	[hbm4b:s16+s2] =	stream.linear.scatter [tilespmem:s28], [sflag:$0xE], $0x2000, $0x38;
	[tilespmem:$0x16400] =	vst v63  }
0x8e: {  	_ =	swait.ge [sflag:s24], $0x2000  }
0x8f: {  	s16 =	rddreg [dreg:$0x5];
	[sflag:s24] =	ssyncset.done $0x0  }
0x90: {  	[sflag:s24] =	ssyncadd.s32 $0xFFFFE000;
	s16 =	sadd.s32 s11, s16  }
0x91: {  	[hbm4b:s16+s2] =	stream.linear.scatter [tilespmem:s30], [sflag:$0xF], $0x2000, $0x38;
	[tilespmem:$0x16400] =	vst v63  }
0x92: {  	_ =	swait.ge [sflag:s26], $0x2000  }
0x93: {  	s16 =	rddreg [dreg:$0x4];
	[sflag:s26] =	ssyncset.done $0x0  }
0x94: {  	[sflag:s26] =	ssyncadd.s32 $0xFFFFE000;
	s11 =	sadd.s32 s11, s16  }
0x95: {  	[hbm4b:s11+s2] =	stream.linear.scatter [tilespmem:s31], [sflag:$0x10], $0x2000, $0x38;
	[tilespmem:$0x16400] =	vst v63  }
0x96: {  	_ =	swait.ge [sflag:s29], $0x2000  }
0x97: {  	[sflag:s29] =	ssyncset.done $0x0  }
0x98: {  	s11 =	sadd.s32 $0xFFFFFC80, s14;
	[sflag:s29] =	ssyncadd.s32 $0xFFFFE000  }
0x99: {  	[tilespmem:s17], [sflag:$0x1] =	stream.indirect.gather [hbm4b:s3+s15], $0x40, s11, s15, $0xb8;
	[tilespmem:$0x16400] =	vst v63  }
0x9a: {  	_ =	swait.ge [sflag:s4], $0x2000  }
0x9b: {  	[sflag:s4] =	ssyncset.done $0x0  }
0x9c: {  	s11 =	sadd.s32 $0xFFFFFD00, s14;
	[sflag:s4] =	ssyncadd.s32 $0xFFFFE000  }
0x9d: {  	[tilespmem:s19], [sflag:$0x2] =	stream.indirect.gather [hbm4b:s3+s15], $0x40, s11, s15, $0xb8;
	[tilespmem:$0x16400] =	vst v63  }
0x9e: {  	_ =	swait.ge [sflag:s5], $0x2000  }
0x9f: {  	[sflag:s5] =	ssyncset.done $0x0  }
0xa0: {  	s11 =	sadd.s32 $0xFFFFFD80, s14;
	[sflag:s5] =	ssyncadd.s32 $0xFFFFE000  }
0xa1: {  	[tilespmem:s21], [sflag:$0x3] =	stream.indirect.gather [hbm4b:s3+s15], $0x40, s11, s15, $0xb8;
	[tilespmem:$0x16400] =	vst v63  }
0xa2: {  	_ =	swait.ge [sflag:s6], $0x2000  }
0xa3: {  	[sflag:s6] =	ssyncset.done $0x0  }
0xa4: {  	s11 =	sadd.s32 $0xFFFFFE00, s14;
	[sflag:s6] =	ssyncadd.s32 $0xFFFFE000  }
0xa5: {  	[tilespmem:s23], [sflag:$0x4] =	stream.indirect.gather [hbm4b:s3+s15], $0x40, s11, s15, $0xb8;
	[tilespmem:$0x16400] =	vst v63  }
0xa6: {  	_ =	swait.ge [sflag:s7], $0x2000  }
0xa7: {  	[sflag:s7] =	ssyncset.done $0x0  }
0xa8: {  	s11 =	sadd.s32 $0xFFFFFE80, s14;
	[sflag:s7] =	ssyncadd.s32 $0xFFFFE000  }
0xa9: {  	[tilespmem:s25], [sflag:$0x5] =	stream.indirect.gather [hbm4b:s3+s15], $0x40, s11, s15, $0xb8;
	[tilespmem:$0x16400] =	vst v63  }
0xaa: {  	_ =	swait.ge [sflag:s8], $0x2000  }
0xab: {  	[sflag:s8] =	ssyncset.done $0x0  }
0xac: {  	s12 =	smov.u32 s14;
	s11 =	sadd.s32 $0xFFFFFF00, s14;
	[sflag:s8] =	ssyncadd.s32 $0xFFFFE000  }
0xad: {  	[tilespmem:s28], [sflag:$0x6] =	stream.indirect.gather [hbm4b:s3+s15], $0x40, s11, s15, $0xb8;
	[tilespmem:$0x16400] =	vst v63  }
0xae: {  	p0 =	sne.s32 s13, $0x2E000;
	s13 =	sadd.s32 $0x2000, s13;
	_ =	swait.ge [sflag:s9], $0x2000  }
0xaf: {  	s16 =	simm.s32 $0x6400;
	s17 =	simm.s32 $0x8400;
	[sflag:s9] =	ssyncset.done $0x0  }
.Ltmp0:
0xb0: {  	s11 =	sadd.s32 $0xFFFFFF80, s14;
	[sflag:s9] =	ssyncadd.s32 $0xFFFFE000;
	(pc) =	sbr.rel @p0 .LBB2_2-.Ltmp0, $4  }
0xb1: {  	[tilespmem:s30], [sflag:$0x7] =	stream.indirect.gather [hbm4b:s3+s15], $0x40, s11, s15, $0xb8;
	[tilespmem:$0x16400] =	vst v63  }
0xb2: {  	s19 =	simm.s32 $0xA400;
	s21 =	simm.s32 $0xC400;
	_ =	swait.ge [sflag:s10], $0x2000  }
0xb3: {  	s23 =	simm.s32 $0xE400;
	s25 =	simm.s32 $0x10400;
	[sflag:s10] =	ssyncset.done $0x0  }
0xb4: {  	s28 =	simm.s32 $0x12400;
	s14 =	sadd.s32 $0x400, s14;
	[sflag:s10] =	ssyncadd.s32 $0xFFFFE000  }
0xb5: {  	s13 =	simm.s32 $0x14400;
	s11 =	simm.s32 $0x1  }
0xb6: {  	[tilespmem:s13], [sflag:$0x8] =	stream.indirect.gather [hbm4b:s3+s15], $0x40, s12, s15, $0xb8;
	[tilespmem:$0x16400] =	vst v63  }
0xb7: {  	_ =	swait.ge [sflag:s11], $0x2000  }
0xb8: {  	[sflag:s11] =	ssyncset.done $0x0  }
0xb9: {  	s14 =	rddreg [dreg:$0xc];
	[sflag:s11] =	ssyncadd.s32 $0xFFFFE000  }
0xba: {  	[hbm4b:s14+s2] =	stream.linear.scatter [tilespmem:s16], [sflag:$0x9], $0x2000, $0x38;
	[tilespmem:$0x16400] =	vst v63  }
0xbb: {  	_ =	swait.ge [sflag:s1], $0x2000  }
0xbc: {  	[sflag:s1] =	ssyncset.done $0x0  }
0xbd: {  	s12 =	rddreg [dreg:$0xd];
	[sflag:s1] =	ssyncadd.s32 $0xFFFFE000  }
0xbe: {  	[hbm4b:s12+s2] =	stream.linear.scatter [tilespmem:s17], [sflag:$0xA], $0x2000, $0x38;
	[tilespmem:$0x16400] =	vst v63  }
0xbf: {  	_ =	swait.ge [sflag:s0], $0x2000  }
0xc0: {  	[sflag:s0] =	ssyncset.done $0x0  }
0xc1: {  	s14 =	rddreg [dreg:$0xe];
	[sflag:s0] =	ssyncadd.s32 $0xFFFFE000  }
0xc2: {  	[hbm4b:s14+s2] =	stream.linear.scatter [tilespmem:s19], [sflag:$0xB], $0x2000, $0x38;
	[tilespmem:$0x16400] =	vst v63  }
0xc3: {  	_ =	swait.ge [sflag:s18], $0x2000  }
0xc4: {  	[sflag:s18] =	ssyncset.done $0x0  }
0xc5: {  	s16 =	rddreg [dreg:$0xf];
	[sflag:s18] =	ssyncadd.s32 $0xFFFFE000  }
0xc6: {  	[hbm4b:s16+s2] =	stream.linear.scatter [tilespmem:s21], [sflag:$0xC], $0x2000, $0x38;
	[tilespmem:$0x16400] =	vst v63  }
0xc7: {  	_ =	swait.ge [sflag:s20], $0x2000  }
0xc8: {  	[sflag:s20] =	ssyncset.done $0x0  }
0xc9: {  	s17 =	rddreg [dreg:$0x10];
	[sflag:s20] =	ssyncadd.s32 $0xFFFFE000  }
0xca: {  	[hbm4b:s17+s2] =	stream.linear.scatter [tilespmem:s23], [sflag:$0xD], $0x2000, $0x38;
	[tilespmem:$0x16400] =	vst v63  }
0xcb: {  	_ =	swait.ge [sflag:s22], $0x2000  }
0xcc: {  	[sflag:s22] =	ssyncset.done $0x0  }
0xcd: {  	s19 =	rddreg [dreg:$0x11];
	[sflag:s22] =	ssyncadd.s32 $0xFFFFE000  }
0xce: {  	[hbm4b:s19+s2] =	stream.linear.scatter [tilespmem:s25], [sflag:$0xE], $0x2000, $0x38;
	[tilespmem:$0x16400] =	vst v63  }
0xcf: {  	_ =	swait.ge [sflag:s24], $0x2000  }
0xd0: {  	[sflag:s24] =	ssyncset.done $0x0  }
0xd1: {  	s21 =	rddreg [dreg:$0x12];
	[sflag:s24] =	ssyncadd.s32 $0xFFFFE000  }
0xd2: {  	[hbm4b:s21+s2] =	stream.linear.scatter [tilespmem:s28], [sflag:$0xF], $0x2000, $0x38;
	[tilespmem:$0x16400] =	vst v63  }
0xd3: {  	_ =	swait.ge [sflag:s26], $0x2000  }
0xd4: {  	[sflag:s26] =	ssyncset.done $0x0  }
0xd5: {  	s23 =	rddreg [dreg:$0x13];
	[sflag:s26] =	ssyncadd.s32 $0xFFFFE000  }
0xd6: {  	[hbm4b:s23+s2] =	stream.linear.scatter [tilespmem:s13], [sflag:$0x10], $0x2000, $0x38;
	[tilespmem:$0x16400] =	vst v63  }
0xd7: {  	_ =	swait.ge [sflag:s29], $0x2000  }
0xd8: {  	[sflag:s29] =	ssyncset.done $0x0  }
0xd9: {  	[sflag:s29] =	ssyncadd.s32 $0xFFFFE000  }
0xda: {  	_ =	swait.ge [sflag:s4], $0x2000  }
0xdb: {  	[sflag:s4] =	ssyncset.done $0x0  }
0xdc: {  	[sflag:s4] =	ssyncadd.s32 $0xFFFFE000  }
0xdd: {  	_ =	swait.ge [sflag:s5], $0x2000  }
0xde: {  	[sflag:s5] =	ssyncset.done $0x0  }
0xdf: {  	[sflag:s5] =	ssyncadd.s32 $0xFFFFE000  }
0xe0: {  	_ =	swait.ge [sflag:s6], $0x2000  }
0xe1: {  	[sflag:s6] =	ssyncset.done $0x0  }
0xe2: {  	[sflag:s6] =	ssyncadd.s32 $0xFFFFE000  }
0xe3: {  	_ =	swait.ge [sflag:s7], $0x2000  }
0xe4: {  	[sflag:s7] =	ssyncset.done $0x0  }
0xe5: {  	[sflag:s7] =	ssyncadd.s32 $0xFFFFE000  }
0xe6: {  	_ =	swait.ge [sflag:s8], $0x2000  }
0xe7: {  	[sflag:s8] =	ssyncset.done $0x0  }
0xe8: {  	[sflag:s8] =	ssyncadd.s32 $0xFFFFE000  }
0xe9: {  	_ =	swait.ge [sflag:s9], $0x2000  }
0xea: {  	[sflag:s9] =	ssyncset.done $0x0  }
0xeb: {  	[sflag:s9] =	ssyncadd.s32 $0xFFFFE000  }
0xec: {  	_ =	swait.ge [sflag:s10], $0x2000  }
0xed: {  	s25 =	rddreg [dreg:$0x15]  }
0xee: {  	s28 =	rddreg [dreg:$0x14];
	s12 =	sadd.s32 $0x1, s25  }
0xef: {  	p0 =	sne.s32 s12, s28  }
.Ltmp1:
0xf0: {  	_ = 	snop;
	(pc) =	sbr.rel @p0 .LBB2_1-.Ltmp1, $3  }
0xf1: {  	_ =	sdelay $0x1  }
0xf2: {  	[sflag:s10] =	ssyncset.done $0x0  }
0xf3: {  	[sflag:s10] =	ssyncadd.s32 $0xFFFFE000  }
0xf4: {  	_ =	sfence.sel $0x180000  }
0xf5: {  	[bflag:$0x0] =	sbarrier.arrive $0xFFFF  }
0xf6: {  	_ =	strace $0x90000047  }
0xf7: {  	s0 =	stileid.u32;
	[bflag:$0x2] =	sbarrier.arrive $0xFFFF  }
0xf8: {  	p0 =	sne.s32 s0, $0x0;
	s0 =	rddreg [dreg:$0x2]  }
0xf9: {  	s0 =	sadd.s32 @!p0 $0x100000, s0  }
0xfa: {  	[sflag:s0] =	ssyncadd.tile.s32 @!p0 $0x1;
	_ =	shalt  }
.Lfunc_end2:
_tile_overlayer_lowered:
.L_overlay_start_2:
0xfb: {  	(tag) =	ssettag $0x2  }
0xfc: {  	s0 =	rddreg [dreg:$0x0];
	s2 =	stileid.u32  }
0xfd: {  	s1 =	rddreg [dreg:$0x1];
	p0 =	sne.s32 s2, $0x0  }
0xfe: {  	s3 =	rddreg [dreg:$0x2];
	[bflag:$0x3] =	sbarrier.arrive $0xFFFF;
	s2 =	simm.s32 @!p0 $0x1C11  }
0xff: {  	[timem:s3], [sflag:s2] =	dma.local @!p0 [hbm:s0], s1  }
0x100: {  	s0 =	simm.s32 @!p0 $0x11  }
0x101: {  	_ =	swait.ge @!p0 [sflag:s0], s1  }
0x102: {  	s1 =	ssub.s32 @!p0 $0x0, s1;
	[sflag:s0] =	ssyncset.done @!p0 $0x0  }
0x103: {  	[sflag:s0] =	ssyncadd.s32 @!p0 s1  }
0x104: {  	[bflag:$0x3] =	sbarrier.arrive $0xFFFF  }
0x105: {  	_ =	shalt  }

// kernel: sparse-core-data-format-call.cloned.1.call-start
scs
called_computation_lowered:
.L_overlay_start_0:
0x0: {  	s2 =	sld [smem:$0x3FD9]  }
0x1: {  	s3 =	sld [smem:$0x3FFE];
	_ =	sdelay $0x1  }
0x2: {  	s1 =	srdreg.scid  }
0x3: {  	s0 =	sand.u32 $0x1, s1  }
0x4: {  	s18 =	sshll.u32 s0, $0xA;
	s2 =	sadd.s32 s3, s2  }
0x5: {  	s2 =	sadd.s32 s2, s18  }
0x6: {  	[smem:$0x3FC6] =	sst s2  }
0x7: {  	_ = 	snop  }
0x8: {  	s2 =	sld [smem:$0x3FD0];
	(tm) =	ssettm $0x1  }
0x9: {  	s19 =	sld [smem:$0x3FFB];
	_ =	sdelay $0x3  }
0xa: {  	_ =	strace s19  }
0xb: {  	s3 =	sld [smem:$0x3FFC];
	_ =	sdelay $0x3  }
0xc: {  	_ =	strace s3  }
0xd: {  	s3 =	sld [smem:$0x3FFD];
	_ =	sdelay $0x3  }
0xe: {  	_ =	strace s3  }
0xf: {  	_ =	strace $0x8FFFFFFF  }
0x10: {  	s20 =	sld [smem:$0x3FDB];
	_ =	sdelay $0x1  }
0x11: {  	s4 =	simm.s32 $_scs_section_size  }
0x12: {  	s5 =	simm.s32 $_size__tile_overlayer_lowered;
	s6 =	simm.s32 $_tile_overlayer_lowered  }
0x13: {  	s23 =	simm.s32 $0x1BFF;
	s22 =	sshll.u32 s6, $0x1;
	s3 =	sadd.s32 s4, s20  }
0x14: {  	s7 =	simm.s32 $0x0;
	s21 =	sshll.u32 s5, $0x1;
	s5 =	sadd.s32 s22, s3  }
0x15: {  	[timem:s7], [sflag:s23] =	dma.local [hbm:s5], s21  }
0x16: {  	_ =	swait.ge [sflag:s23], s21  }
0x17: {  	s4 =	ssub.s32 $0x0, s21;
	[sflag:s23] =	ssyncset.done $0x0  }
0x18: {  	[sflag:s23] =	ssyncadd.s32 s4;
	_ =	sdelay $0x1  }
0x19: {  	s24 =	simm.s32 $0x1B8B  }
0x1a: {  	_ =	swait.ge [sflag:s24], $0x1  }
0x1b: {  	[sflag:s24] =	ssyncset.done $0x0  }
0x1c: {  	s26 =	simm.s32 $0x1B8E;
	s25 =	sld [smem:$0x3FFE];
	[sflag:s24] =	ssyncadd.s32 $0xFFFFFFFF  }
0x1d: {  	s27 =	simm.s32 $execute0_lowered;
	[smem:$0x3FD2] =	sst s26  }
0x1e: {  	s5 =	sshll.u32 s27, $0x1;
	_ =	strace $0x80000049;
	[dreg:$0x1] =	wrdreg $0xFFFFFFFF  }
0x1f: {  	s28 =	simm.s32 $_size_execute0_lowered;
	s3 =	sadd.s32 s3, s5;
	[dreg:$0x0] =	wrdreg $0x0  }
0x20: {  	s5 =	sshll.u32 s28, $0x1;
	[dreg:$0x2] =	wrdreg s3  }
0x21: {  	[dreg:$0x3] =	wrdreg s5  }
0x22: {  	[dreg:$0x4] =	wrdreg $0xC0  }
0x23: {  	_ =	task [dreg:s7], $0x5FFFF  }
0x24: {  	[dreg:$0x1] =	wrdreg $0xFFFFFFFF  }
0x25: {  	[dreg:$0x0] =	wrdreg $0x60  }
0x26: {  	[dreg:$0x2] =	wrdreg s25  }
0x27: {  	[dreg:$0x3] =	wrdreg s2  }
0x28: {  	[dreg:$0x4] =	wrdreg $0x9  }
0x29: {  	_ =	task.clear_ibuf [dreg:s7], $0x5FFFF;
	_ =	strace $0x90000049  }
0x2a: {  	s29 =	simm.s32 $0x9;
	_ =	strace $0x8000004B  }
0x2b: {  	_ =	swait.ge [sflag:s29], $0x1  }
0x2c: {  	[sflag:s29] =	ssyncadd.s32 $0xFFFFFFFF  }
0x2d: {  	_ =	strace $0x9000004B  }
0x2e: {  	_ =	sfence  }
0x2f: {  	s30 =	sld [smem:$0x0];
	_ =	sdelay $0x2  }
0x30: {  	s31 =	sshll.u32 s1, $0xD;
	s1 =	sshrl.u32 s1, $0x2  }
0x31: {  	s3 =	sand.u32 $0x4000, s31;
	s1 =	sadd.s32 s1, s30  }
0x32: {  	s0 =	sor.u32 s3, s0;
	s1 =	sshll.u32 s1, $0x11  }
0x33: {  	s0 =	sor.u32 s1, s0  }
0x34: {  	s0 =	sadd.s32 $0x8F2B, s0  }
0x35: {  	[sflag:s0] =	ssyncadd.remote.s32 $0x1  }
0x36: {  	_ =	sfence.sel $0xFFFF  }
0x37: {  	[dreg:$0x0] =	wrdreg $0xFFFFFFFF;
	(pc) =	sbr.abs _section_cstart, $3  }
0x38: {  	[dreg:$0x1] =	wrdreg $0xFFFFFFFF  }
0x39: {  	_ =	task.clear_ibuf [dreg:s7], $0x2FFFF;
	_ =	strace $0x9FFFFFFF  }
0x3a: {  	(tm) =	ssettm $0x7FFFFFFF  }
0x3b: {  	_ =	shalt  }
tec
execute0_lowered:
.L_overlay_start_1:
0x0: {  	(tag) =	ssettag $0x1  }
0x1: {  	s0 =	srdreg.scid  }
0x2: {  	s1 =	sshll.u32 s0, $0x4  }
0x3: {  	s0 =	stileid.u32;
	s1 =	sand.u32 $0x10, s1  }
0x4: {  	s1 =	sor.u32 s0, s1  }
0x5: {  	s6 =	rddreg [dreg:$0x0];
	s4 =	simm.s32 $0x1;
	s2 =	sshll.u32 s1, $0x7  }
0x6: {  	s7 =	simm.s32 $0x2;
	s12 =	simm.s32 $0x0;
	s1 =	ssub.s32 $0x1000, s2  }
0x7: {  	s8 =	simm.s32 $0x8000;
	s13 =	simm.s32 $0x0;
	s3 =	sand.u32 $0xF80, s1  }
0x8: {  	s9 =	simm.s32 $0x0;
	s5 =	sshrl.u32 s1, $0xC;
	p0 =	sne.s32 s3, $0x0  }
.Ltmp0:
0x9: {  	s1 =	rddreg [dreg:$0x2];
	s4 =	simm.s32 @!p0 $0x0;
	(pc) =	sbr.rel .LBB1_1-.Ltmp0, $4  }
0xa: {  	s11 =	simm.s32 $0x0;
	s3 =	rddreg [dreg:$0x1];
	s5 =	sadd.s32 s4, s5  }
0xb: {  	_ =	strace $0x8000004A;
	s4 =	simm.s32 $0x1;
	s5 =	smul.u32 $0xC8, s5  }
0xc: {  	s6 =	sadd.s32 $0xA00, s6;
	s10 =	smov.u32 s2;
	[sflag:s4] =	ssyncpa.u1 $0x0  }
0xd: {  	p0 =	por $0x0, $0x0;
	[sflag:s7] =	ssyncpa.u1 $0x0;
	s7 =	sor.u32 $0x1, s5  }
.LBB1_4:
0xe: {  	s16 =	sshll.u32 s13, $0x3;
	s17 =	sand.u32 $0x78, s13  }
0xf: {  	s30 =	sand.u32 $0x7E00, s13;
	s12 =	sshll.u32 s12, $0xF;
	s16 =	sand.u32 $0xC00, s16  }
0x10: {  	[tilespmem:s15+$0x810 ss:$0x81] =	vst.msk $0xffff, v2;
	s31 =	sand.u32 $0x7, s13;
	s16 =	sor.u32 s17, s16;
	s17 =	sadd.s32 s3, s30  }
0x11: {  	[tilespmem:s15+$0x1020 ss:$0x81] =	vst.msk $0xffff, v0;
	s13 =	sshll.u32 s31, $0x12;
	s12 =	sadd.s32 s12, s17;
	s16 =	sshrl.u32 s16, $0x3  }
0x12: {  	[tilespmem:s15+$0x0 ss:$0x81] =	vst.msk $0xffff, v1;
	s13 =	sor.u32 $0x400, s13;
	s12 =	sadd.s32 s16, s12  }
0x13: {  	[hbm4b:s12+s13] =	stream.strided.scatter [tilespmem:s14], [sflag:$0x2], $0x2000, s8, s13, $0x20;
	[tilespmem:$0x8080] =	vst v63  }
.LBB1_5:
0x14: {  	s14 =	sadd.s32 $0x1, s9  }
0x15: {  	s12 =	sadd.s32 $0x1000, s10;
	s16 =	smov.u32 s10;
	p2 =	sgt.s32 s14, $0xC7  }
0x16: {  	s16 =	smov.u32 @p2 s12  }
0x17: {  	s14 =	simm.s32 @p2 $0x0;
	p2 =	sgt.s32 s16, $0xFFF  }
0x18: {  	s16 =	smov.u32 @p2 s2;
	p2 =	sne.s32 s11, s7  }
.Ltmp1:
0x19: {  	p1 =	slt.u32 s11, $0x2;
	(pc) =	sbr.rel @!p2 .LBB1_6-.Ltmp1, $4  }
0x1a: {  	s15 =	simm.s32 @!p1 $0x2  }
0x1b: {  	s13 =	smov.u32 s10;
	p0 =	por !p0, !p0;
	_ =	swait.ge @!p1 [sflag:s15], $0x2000  }
0x1c: {  	s12 =	smov.u32 s9;
	[sflag:s15] =	ssyncset.done @!p1 $0x0;
	s9 =	smov.u32 s14  }
0x1d: {  	s11 =	sadd.s32 $0x1, s11;
	[sflag:s15] =	ssyncadd.s32 @!p1 $0xFFFFE000;
	s10 =	smov.u32 s16  }
.LBB1_1:
0x1e: {  	p1 =	sge.u32 s11, s5  }
0x1f: {  	s14 =	sand.u32 @!p1 $0x1FFFFFF, s9  }
0x20: {  	s15 =	smulhi.u32 @!p1 $0x147AE15, s14;
	_ =	sdelay $0x1  }
0x21: {  	s15 =	smul.u32 @!p1 $0xC8, s15  }
0x22: {  	s16 =	sxor.u32 @!p1 $0xFFFFFFFF, s11;
	s17 =	smul.u32 @!p1 $0xC80, s10  }
0x23: {  	s31 =	sadd.s32 $0xFFFFFFFF, s11;
	s16 =	sshll.u32 @!p1 s16, $0xD;
	s14 =	ssub.s32 @!p1 s14, s15  }
0x24: {  	s15 =	sand.u32 @!p1 $0x2000, s16;
	s16 =	sadd.s32 @!p1 s6, s17;
	s14 =	sshll.u32 @!p1 s14, $0x4  }
0x25: {  	s17 =	simm.s32 @!p1 $0x6400;
	s14 =	sadd.s32 @!p1 s14, s16;
	s16 =	simm.s32 @!p1 $0x40  }
0x26: {  	[tilespmem:s15], [sflag:$0x1] =	stream.strided.gather @!p1 [hbm4b:s14+s16], $0x2000, s17, s16, $0x38;
	[tilespmem:$0x8080] =	vst v63  }
0x27: {  	p1 =	sge.u32 s31, s5  }
.Ltmp2:
0x28: {  	_ = 	snop;
	(pc) =	sbr.rel @p1 .LBB1_5-.Ltmp2, $1  }
0x29: {  	_ =	sdelay $0x3  }
0x2a: {  	s14 =	simm.s32 $0x1  }
0x2b: {  	_ =	swait.ge [sflag:s4], $0x2000;
	s14 =	simm.s32 @!p0 $0x0  }
0x2c: {  	[sflag:s4] =	ssyncset.done $0x0;
	s15 =	sshll.u32 s14, $0xD  }
0x2d: {  	[sflag:s4] =	ssyncadd.s32 $0xFFFFE000;
	s18 =	sor.u32 $0x20, s15  }
0x2e: {  	s14 =	smul.u32 $0x8100, s14;
	v3 =	vld [tilespmem:s18+$0x10]  }
0x2f: {  	s30 =	sand.u32 $0x1, s11;
	v2 =	vld [tilespmem:s18+$0xFFFFFFF0]  }
0x30: {  	s15 =	smul.u32 $0x8100, s30;
	s14 =	sshrl.u32 s14, $0x2;
	v0 =	vld [tilespmem:s18+$0x0]  }
0x31: {  	v1 =	vld [tilespmem:s18+$0xFFFFFFE0];
	s16 =	sor.u32 $0x4000, s14  }
0x32: {  	s31 =	sshrl.u32 s15, $0x2;
	s15 =	sadd.s32 $0x0, s16  }
0x33: {  	s17 =	simm.s32 $0x4;
	s18 =	sadd.s32 $0x40, s18;
	s14 =	sor.u32 $0x4000, s31;
	[tilespmem:s15+$0x1830 ss:$0x81] =	vst.msk $0xffff, v3  }
.LBB1_3:
0x34: {  	v3 =	vld [tilespmem:s18+$0x10];
	p1 =	sne.s32 s17, $0x1FC;
	[tilespmem:s15+$0x810 ss:$0x81] =	vst.msk $0xffff, v2;
	s19 =	smov.u32 s17;
	s17 =	sadd.s32 $0x4, s17  }
.Ltmp3:
0x35: {  	v2 =	vld [tilespmem:s18+$0xFFFFFFF0];
	[tilespmem:s15+$0x1020 ss:$0x81] =	vst.msk $0xffff, v0;
	(pc) =	sbr.rel @p1 .LBB1_3-.Ltmp3, $4  }
0x36: {  	v0 =	vld [tilespmem:s18+$0x0];
	[tilespmem:s15+$0x0 ss:$0x81] =	vst.msk $0xffff, v1  }
0x37: {  	s15 =	sshra.s32 s19, $0x2;
	v1 =	vld [tilespmem:s18+$0xFFFFFFE0]  }
0x38: {  	s15 =	sadd.s32 s15, s16  }
0x39: {  	s18 =	sadd.s32 $0x40, s18;
	[tilespmem:s15+$0x1830 ss:$0x81] =	vst.msk $0xffff, v3  }
.Ltmp4:
0x3a: {  	_ = 	snop;
	(pc) =	sbr.rel .LBB1_4-.Ltmp4, $1  }
0x3b: {  	_ =	sdelay $0x3  }
.LBB1_6:
0x3c: {  	_ =	sfence.sel $0x180000  }
0x3d: {  	s2 =	simm.s32 $0x1;
	[bflag:$0x0] =	sbarrier.arrive $0xFFFF  }
0x3e: {  	s31 =	simm.s32 $0x2;
	[sflag:s2] =	ssyncpa.u1 $0x1  }
0x3f: {  	[sflag:s31] =	ssyncpa.u1 $0x1  }
0x40: {  	p0 =	sne.s32 s0, $0x0;
	_ =	strace $0x9000004A  }
0x41: {  	s0 =	sadd.s32 @!p0 $0x100000, s1;
	[bflag:$0x2] =	sbarrier.arrive $0xFFFF  }
0x42: {  	[sflag:s0] =	ssyncadd.tile.s32 @!p0 $0x1;
	_ =	shalt  }
.Lfunc_end1:
_tile_overlayer_lowered:
.L_overlay_start_2:
0x43: {  	(tag) =	ssettag $0x2  }
0x44: {  	s0 =	rddreg [dreg:$0x0];
	s2 =	stileid.u32  }
0x45: {  	s1 =	rddreg [dreg:$0x1];
	p0 =	sne.s32 s2, $0x0  }
0x46: {  	s3 =	rddreg [dreg:$0x2];
	[bflag:$0x3] =	sbarrier.arrive $0xFFFF;
	s2 =	simm.s32 @!p0 $0x1C01  }
0x47: {  	[timem:s3], [sflag:s2] =	dma.local @!p0 [hbm:s0], s1  }
0x48: {  	s0 =	simm.s32 @!p0 $0x1  }
0x49: {  	_ =	swait.ge @!p0 [sflag:s0], s1  }
0x4a: {  	s1 =	ssub.s32 @!p0 $0x0, s1;
	[sflag:s0] =	ssyncset.done @!p0 $0x0  }
0x4b: {  	[sflag:s0] =	ssyncadd.s32 @!p0 s1  }
0x4c: {  	[bflag:$0x3] =	sbarrier.arrive $0xFFFF  }
0x4d: {  	_ =	shalt  }

</sc_bundles>
